<compile_context>
chip_gen: v7x
topology: tpu7x:2x2x1
jax: 0.10.2.dev20260603
libtpu: 0.0.44.dev20260713+nightly
codegen_flags: <defaults>
</compile_context>

<pallas_src>
import functools

import jax
import jax.numpy as jnp
from jax import lax
from jax.experimental import pallas as pl
from jax.experimental.pallas import tpu as pltpu
from jax.experimental.pallas import tpu_sc as plsc

N_NODES = 10000
N_EDGES = 320000
D = 128

NC = 2
NS = 16
NW = NC * NS
EPW = N_EDGES // NW
CHUNK = 128
NCHUNK = EPW // CHUNK
TAIL = EPW - NCHUNK * CHUNK
N_PAD = 10112
ROWS_PER_TILE = N_PAD // NS
NBUF = 3

_sc_mesh = plsc.VectorSubcoreMesh(core_axis_name="c", subcore_axis_name="s")


@functools.partial(
    pl.kernel,
    out_type=jax.ShapeDtypeStruct((NC, N_PAD, D), jnp.float32),
    mesh=_sc_mesh,
    scratch_types=[
        pltpu.VMEM((CHUNK,), jnp.int32),
        pltpu.VMEM((CHUNK,), jnp.int32),
        pltpu.VMEM((CHUNK,), jnp.int32),
        pltpu.VMEM((CHUNK,), jnp.int32),
        pltpu.VMEM((CHUNK,), jnp.int32),
        pltpu.VMEM((CHUNK,), jnp.int32),
        pltpu.VMEM((CHUNK, D), jnp.float32),
        pltpu.VMEM((CHUNK, D), jnp.float32),
        pltpu.VMEM((CHUNK, D), jnp.float32),
        pltpu.VMEM_SHARED((N_PAD, D), jnp.float32),
        pltpu.SemaphoreType.DMA,
        pltpu.SemaphoreType.DMA,
        pltpu.SemaphoreType.DMA,
        pltpu.SemaphoreType.DMA,
    ],
)
def _sc_aggregate(x_hbm, ei_hbm, out_hbm,
                  si0, si1, si2, di0, di1, di2, rb0, rb1, rb2, acc,
                  sem_i, sem_d, sem_g, sem_s):
    c = lax.axis_index("c")
    s = lax.axis_index("s")
    w = c * NS + s

    sbufs = (si0, si1, si2)
    dbufs = (di0, di1, di2)
    bufs = (rb0, rb1, rb2)

    def zrow(i, carry):
        for k in range(D // 16):
            rb0[i, pl.ds(k * 16, 16)] = jnp.zeros((16,), jnp.float32)
        return carry

    lax.fori_loop(0, CHUNK, zrow, 0)
    r0 = pl.multiple_of(s * ROWS_PER_TILE, 8)
    for t in range(ROWS_PER_TILE // CHUNK):
        pltpu.sync_copy(rb0, acc.at[pl.ds(r0 + t * CHUNK, CHUNK)])
    rem = ROWS_PER_TILE % CHUNK
    if rem:
        pltpu.sync_copy(
            rb0.at[pl.ds(0, rem)],
            acc.at[pl.ds(r0 + ROWS_PER_TILE - rem, rem)])
    e0 = pl.multiple_of(w * EPW, 8)
    plsc.subcore_barrier()

    def start_src_idx(j, b):
        off = pl.multiple_of(j * CHUNK, 8)
        pltpu.async_copy(ei_hbm.at[pl.ds(e0 + off, CHUNK)], sbufs[b], sem_i)

    def wait_src_idx(b):
        pltpu.make_async_copy(ei_hbm.at[pl.ds(0, CHUNK)], sbufs[b],
                              sem_i).wait()

    def start_dst_idx(j, b):
        off = pl.multiple_of(j * CHUNK, 8)
        pltpu.async_copy(ei_hbm.at[pl.ds(N_EDGES + e0 + off, CHUNK)],
                         dbufs[b], sem_d)

    def wait_dst_idx(b):
        pltpu.make_async_copy(ei_hbm.at[pl.ds(0, CHUNK)], dbufs[b],
                              sem_d).wait()

    def start_gather(j, b):
        del j
        pltpu.async_copy(x_hbm.at[sbufs[b]], bufs[b], sem_g)

    def wait_gather(b):
        pltpu.make_async_copy(x_hbm.at[sbufs[b]], bufs[b], sem_g).wait()

    def start_scatter(j, b):
        del j
        pltpu.async_copy(bufs[b], acc.at[dbufs[b]], sem_s, add=True)

    def wait_scatter(b):
        pltpu.make_async_copy(bufs[b], acc.at[dbufs[b]], sem_s).wait()

    last = NCHUNK - 1

    def emit_round(j, static):
        for b in range(NBUF):
            cchunk = j + b
            if static and cchunk > last:
                continue
            wait_gather(b)
            wait_dst_idx(b)
            start_scatter(cchunk, b)
            if not static or cchunk + NBUF <= last:
                start_src_idx(cchunk + NBUF, b)
        for b in range(NBUF):
            if static and j + b > last:
                continue
            wait_scatter(b)
            if not static or j + b + NBUF <= last:
                start_dst_idx(j + b + NBUF, b)
                wait_src_idx(b)
                start_gather(j + b + NBUF, b)

    for b in range(NBUF):
        start_src_idx(b, b)
        start_dst_idx(b, b)
    for b in range(NBUF):
        wait_src_idx(b)
        start_gather(b, b)

    def body(i, carry):
        emit_round(3 * i, False)
        return carry

    lax.fori_loop(0, 25, body, 0)
    emit_round(75, True)
    toff = pl.multiple_of(NCHUNK * CHUNK, 8)
    pltpu.async_copy(ei_hbm.at[pl.ds(e0 + toff, TAIL)],
                     si0.at[pl.ds(0, TAIL)], sem_i)
    pltpu.async_copy(ei_hbm.at[pl.ds(N_EDGES + e0 + toff, TAIL)],
                     di0.at[pl.ds(0, TAIL)], sem_i)
    pltpu.make_async_copy(ei_hbm.at[pl.ds(0, TAIL)],
                          si0.at[pl.ds(0, TAIL)], sem_i).wait()
    pltpu.make_async_copy(ei_hbm.at[pl.ds(0, TAIL)],
                          di0.at[pl.ds(0, TAIL)], sem_i).wait()
    pltpu.async_copy(x_hbm.at[si0.at[pl.ds(0, TAIL)]],
                     rb0.at[pl.ds(0, TAIL)], sem_g)
    pltpu.make_async_copy(x_hbm.at[si0.at[pl.ds(0, TAIL)]],
                          rb0.at[pl.ds(0, TAIL)], sem_g).wait()
    pltpu.sync_copy(rb0.at[pl.ds(0, TAIL)],
                    acc.at[di0.at[pl.ds(0, TAIL)]], add=True)
    plsc.subcore_barrier()

    pltpu.sync_copy(acc.at[pl.ds(r0, ROWS_PER_TILE)],
                    out_hbm.at[c].at[pl.ds(r0, ROWS_PER_TILE)])


_ROW_BLK = 1000
_DN_T = (((1,), (1,)), ((), ()))


def _tc_root(x_ref, wr_ref, b_ref, o_ref):
    o_ref[...] = lax.dot_general(
        x_ref[...], wr_ref[...], _DN_T,
        preferred_element_type=jnp.float32) + b_ref[...]


_tc_root_call = pl.pallas_call(
    _tc_root,
    grid=(N_NODES // _ROW_BLK,),
    in_specs=[
        pl.BlockSpec((_ROW_BLK, D), lambda i: (i, 0)),
        pl.BlockSpec((D, D), lambda i: (0, 0)),
        pl.BlockSpec((1, D), lambda i: (0, 0)),
    ],
    out_specs=pl.BlockSpec((_ROW_BLK, D), lambda i: (i, 0)),
    out_shape=jax.ShapeDtypeStruct((N_NODES, D), jnp.float32),
)


def _tc_fin(p_ref, r_ref, wl_ref, o_ref):
    agg = p_ref[0] + p_ref[1]
    y = lax.dot_general(agg, wl_ref[...], _DN_T,
                        preferred_element_type=jnp.float32)
    o_ref[...] = jnp.tanh(y + r_ref[...])


_tc_fin_call = pl.pallas_call(
    _tc_fin,
    grid=(N_NODES // _ROW_BLK,),
    in_specs=[
        pl.BlockSpec((NC, _ROW_BLK, D), lambda i: (0, i, 0)),
        pl.BlockSpec((_ROW_BLK, D), lambda i: (i, 0)),
        pl.BlockSpec((D, D), lambda i: (0, 0)),
    ],
    out_specs=pl.BlockSpec((_ROW_BLK, D), lambda i: (i, 0)),
    out_shape=jax.ShapeDtypeStruct((N_NODES, D), jnp.float32),
)


def kernel(x, edge_index, W_l, b_l, W_r):
    ei = edge_index.astype(jnp.int32).reshape(-1)
    root = _tc_root_call(x, W_r, b_l.reshape(1, D))
    partials = _sc_aggregate(x, ei)
    return _tc_fin_call(partials, root, W_l)

# --- scband reference (transcript-rebuilt; emitter-appended) ---
"""Pipeline reference for scband-gnn-5231270166915 (READ-ONLY COPY).

The authoritative reference and input builder live on the scoring server;
editing this copy changes nothing except your own understanding.
"""

import jax, jax.numpy as jnp
import numpy as np

N_NODES = 10000
N_EDGES = 320000
D_IN = 128
D_OUT = 128


def setup_inputs(seed: int = 0) -> dict:
    key = jax.random.key(seed)
    k1, k2, k3, k4 = jax.random.split(key, 4)
    x = jax.random.normal(k1, (N_NODES, D_IN), dtype=jnp.float32)
    edge_index = jax.random.randint(k2, (2, N_EDGES), 0, N_NODES, dtype=jnp.int64)
    # SAGEConv parameters: lin_l (applied to aggregated neighbors, with bias),
    # lin_r (applied to root/self features, no bias) -- PyG defaults.
    W_l = jax.random.normal(k3, (D_OUT, D_IN), dtype=jnp.float32) * 0.05
    b_l = jnp.zeros((D_OUT,), dtype=jnp.float32)
    W_r = jax.random.normal(k4, (D_OUT, D_IN), dtype=jnp.float32) * 0.05
    return {"x": x, "edge_index": edge_index, "W_l": W_l, "b_l": b_l, "W_r": W_r}


def reference(x, edge_index, W_l, b_l, W_r):
    # SAGEConv with aggr='add':
    #   out_i = lin_l( sum_{j in N(i)} x_j ) + lin_r( x_i )
    # followed by Tanh activation.
    src = edge_index[0]
    dst = edge_index[1]
    msgs = jnp.take(x, src, axis=0)                      # gather neighbor feats [E, D_IN]
    agg = jax.ops.segment_sum(msgs, dst, num_segments=x.shape[0])  # scatter-add [N, D_IN]
    out = agg @ W_l.T + b_l + x @ W_r.T
    return jnp.tanh(out)

if __name__ == "__main__":
    import jax
    _d = setup_inputs()
    print(jax.jit(kernel)(*tuple(_d.values())))

</pallas_src>

<mosaic_0001>
#map = affine_map<(d0, d1) -> (0, 0)>
#map1 = affine_map<(d0, d1) -> (0)>
#map2 = affine_map<(d0, d1) -> (0, 0, 0)>
module attributes {stable_mosaic.version = 14 : i64} {
  func.func @_sc_aggregate(%arg0: i32, %arg1: i32, %arg2: memref<10000x128xf32, #tpu.memory_space<hbm>>, %arg3: memref<640000xi32, #tpu.memory_space<hbm>>, %arg4: memref<2x10112x128xf32, #tpu.memory_space<hbm>>, %arg5: memref<128xi32, #tpu.memory_space<vmem>>, %arg6: memref<128xi32, #tpu.memory_space<vmem>>, %arg7: memref<128xi32, #tpu.memory_space<vmem>>, %arg8: memref<128xi32, #tpu.memory_space<vmem>>, %arg9: memref<128xi32, #tpu.memory_space<vmem>>, %arg10: memref<128xi32, #tpu.memory_space<vmem>>, %arg11: memref<128x128xf32, #tpu.memory_space<vmem>>, %arg12: memref<128x128xf32, #tpu.memory_space<vmem>>, %arg13: memref<128x128xf32, #tpu.memory_space<vmem>>, %arg14: memref<10112x128xf32, #tpu.memory_space<vmem_shared>>, %arg15: memref<!tpu.dma_semaphore, #tpu.memory_space<semaphore_mem>>, %arg16: memref<!tpu.dma_semaphore, #tpu.memory_space<semaphore_mem>>, %arg17: memref<!tpu.dma_semaphore, #tpu.memory_space<semaphore_mem>>, %arg18: memref<!tpu.dma_semaphore, #tpu.memory_space<semaphore_mem>>) attributes {dimension_semantics = [#tpu.dimension_semantics<core_parallel>, #tpu.dimension_semantics<subcore_parallel>], iteration_bounds = array<i64: 2, 16>, scalar_prefetch = 0 : i64, scratch_operands = 14 : i64, tpu.core_type = #tpu.core_type<sc_vector_subcore>, window_params = [{transform_indices = #map}, {transform_indices = #map1}, {transform_indices = #map2}]} {
    %mul3A = arith.constant 16 : i32
    %mul3A_0 = arith.muli %arg0, %mul3A : i32
    %add3A = arith.addi %mul3A_0, %arg1 : i32
    %scan3A = arith.constant 0 : i32
    %scan3A_1 = arith.constant 0 : i32
    %scan3A_2 = arith.constant 128 : i32
    %scan3A_3 = arith.addi %scan3A_1, %scan3A_2 : i32
    %scan3A_4 = arith.constant 1 : i32
    scf.for %scan3A_173 = %scan3A_1 to %scan3A_3 step %scan3A_4  : i32 {
      %broadcast_in_dim3A = arith.constant 0.000000e+00 : f32
      %broadcast_in_dim3A_174 = vector.broadcast %broadcast_in_dim3A : f32 to vector<16xf32>
      %swap3A = arith.index_cast %scan3A_173 : i32 to index
      %swap3A_175 = arith.constant 0 : index
      %swap3A_176 = tpu.vector_load %arg11[%swap3A, %swap3A_175] {strides = array<i32>} : memref<128x128xf32, #tpu.memory_space<vmem>>, vector<1x16xf32>,
      %swap3A_177 = vector.shape_cast %swap3A_176 : vector<1x16xf32> to vector<16xf32>
      %swap3A_178 = vector.shape_cast %broadcast_in_dim3A_174 : vector<16xf32> to vector<1x16xf32>
      tpu.vector_store %arg11[%swap3A, %swap3A_175], %swap3A_178 {strides = array<i32>} : memref<128x128xf32, #tpu.memory_space<vmem>>, vector<1x16xf32>,
      %broadcast_in_dim3A_179 = arith.constant 0.000000e+00 : f32
      %broadcast_in_dim3A_180 = vector.broadcast %broadcast_in_dim3A_179 : f32 to vector<16xf32>
      %swap3A_181 = arith.index_cast %scan3A_173 : i32 to index
      %swap3A_182 = arith.constant 16 : index
      %swap3A_183 = tpu.vector_load %arg11[%swap3A_181, %swap3A_182] {strides = array<i32>} : memref<128x128xf32, #tpu.memory_space<vmem>>, vector<1x16xf32>,
      %swap3A_184 = vector.shape_cast %swap3A_183 : vector<1x16xf32> to vector<16xf32>
      %swap3A_185 = vector.shape_cast %broadcast_in_dim3A_180 : vector<16xf32> to vector<1x16xf32>
      tpu.vector_store %arg11[%swap3A_181, %swap3A_182], %swap3A_185 {strides = array<i32>} : memref<128x128xf32, #tpu.memory_space<vmem>>, vector<1x16xf32>,
      %broadcast_in_dim3A_186 = arith.constant 0.000000e+00 : f32
      %broadcast_in_dim3A_187 = vector.broadcast %broadcast_in_dim3A_186 : f32 to vector<16xf32>
      %swap3A_188 = arith.index_cast %scan3A_173 : i32 to index
      %swap3A_189 = arith.constant 32 : index
      %swap3A_190 = tpu.vector_load %arg11[%swap3A_188, %swap3A_189] {strides = array<i32>} : memref<128x128xf32, #tpu.memory_space<vmem>>, vector<1x16xf32>,
      %swap3A_191 = vector.shape_cast %swap3A_190 : vector<1x16xf32> to vector<16xf32>
      %swap3A_192 = vector.shape_cast %broadcast_in_dim3A_187 : vector<16xf32> to vector<1x16xf32>
      tpu.vector_store %arg11[%swap3A_188, %swap3A_189], %swap3A_192 {strides = array<i32>} : memref<128x128xf32, #tpu.memory_space<vmem>>, vector<1x16xf32>,
      %broadcast_in_dim3A_193 = arith.constant 0.000000e+00 : f32
      %broadcast_in_dim3A_194 = vector.broadcast %broadcast_in_dim3A_193 : f32 to vector<16xf32>
      %swap3A_195 = arith.index_cast %scan3A_173 : i32 to index
      %swap3A_196 = arith.constant 48 : index
      %swap3A_197 = tpu.vector_load %arg11[%swap3A_195, %swap3A_196] {strides = array<i32>} : memref<128x128xf32, #tpu.memory_space<vmem>>, vector<1x16xf32>,
      %swap3A_198 = vector.shape_cast %swap3A_197 : vector<1x16xf32> to vector<16xf32>
      %swap3A_199 = vector.shape_cast %broadcast_in_dim3A_194 : vector<16xf32> to vector<1x16xf32>
      tpu.vector_store %arg11[%swap3A_195, %swap3A_196], %swap3A_199 {strides = array<i32>} : memref<128x128xf32, #tpu.memory_space<vmem>>, vector<1x16xf32>,
      %broadcast_in_dim3A_200 = arith.constant 0.000000e+00 : f32
      %broadcast_in_dim3A_201 = vector.broadcast %broadcast_in_dim3A_200 : f32 to vector<16xf32>
      %swap3A_202 = arith.index_cast %scan3A_173 : i32 to index
      %swap3A_203 = arith.constant 64 : index
      %swap3A_204 = tpu.vector_load %arg11[%swap3A_202, %swap3A_203] {strides = array<i32>} : memref<128x128xf32, #tpu.memory_space<vmem>>, vector<1x16xf32>,
      %swap3A_205 = vector.shape_cast %swap3A_204 : vector<1x16xf32> to vector<16xf32>
      %swap3A_206 = vector.shape_cast %broadcast_in_dim3A_201 : vector<16xf32> to vector<1x16xf32>
      tpu.vector_store %arg11[%swap3A_202, %swap3A_203], %swap3A_206 {strides = array<i32>} : memref<128x128xf32, #tpu.memory_space<vmem>>, vector<1x16xf32>,
      %broadcast_in_dim3A_207 = arith.constant 0.000000e+00 : f32
      %broadcast_in_dim3A_208 = vector.broadcast %broadcast_in_dim3A_207 : f32 to vector<16xf32>
      %swap3A_209 = arith.index_cast %scan3A_173 : i32 to index
      %swap3A_210 = arith.constant 80 : index
      %swap3A_211 = tpu.vector_load %arg11[%swap3A_209, %swap3A_210] {strides = array<i32>} : memref<128x128xf32, #tpu.memory_space<vmem>>, vector<1x16xf32>,
      %swap3A_212 = vector.shape_cast %swap3A_211 : vector<1x16xf32> to vector<16xf32>
      %swap3A_213 = vector.shape_cast %broadcast_in_dim3A_208 : vector<16xf32> to vector<1x16xf32>
      tpu.vector_store %arg11[%swap3A_209, %swap3A_210], %swap3A_213 {strides = array<i32>} : memref<128x128xf32, #tpu.memory_space<vmem>>, vector<1x16xf32>,
      %broadcast_in_dim3A_214 = arith.constant 0.000000e+00 : f32
      %broadcast_in_dim3A_215 = vector.broadcast %broadcast_in_dim3A_214 : f32 to vector<16xf32>
      %swap3A_216 = arith.index_cast %scan3A_173 : i32 to index
      %swap3A_217 = arith.constant 96 : index
      %swap3A_218 = tpu.vector_load %arg11[%swap3A_216, %swap3A_217] {strides = array<i32>} : memref<128x128xf32, #tpu.memory_space<vmem>>, vector<1x16xf32>,
      %swap3A_219 = vector.shape_cast %swap3A_218 : vector<1x16xf32> to vector<16xf32>
      %swap3A_220 = vector.shape_cast %broadcast_in_dim3A_215 : vector<16xf32> to vector<1x16xf32>
      tpu.vector_store %arg11[%swap3A_216, %swap3A_217], %swap3A_220 {strides = array<i32>} : memref<128x128xf32, #tpu.memory_space<vmem>>, vector<1x16xf32>,
      %broadcast_in_dim3A_221 = arith.constant 0.000000e+00 : f32
      %broadcast_in_dim3A_222 = vector.broadcast %broadcast_in_dim3A_221 : f32 to vector<16xf32>
      %swap3A_223 = arith.index_cast %scan3A_173 : i32 to index
      %swap3A_224 = arith.constant 112 : index
      %swap3A_225 = tpu.vector_load %arg11[%swap3A_223, %swap3A_224] {strides = array<i32>} : memref<128x128xf32, #tpu.memory_space<vmem>>, vector<1x16xf32>,
      %swap3A_226 = vector.shape_cast %swap3A_225 : vector<1x16xf32> to vector<16xf32>
      %swap3A_227 = vector.shape_cast %broadcast_in_dim3A_222 : vector<16xf32> to vector<1x16xf32>
      tpu.vector_store %arg11[%swap3A_223, %swap3A_224], %swap3A_227 {strides = array<i32>} : memref<128x128xf32, #tpu.memory_space<vmem>>, vector<1x16xf32>,
    }
    %scan3A_5 = arith.constant 128 : i32
    %mul3A_6 = arith.constant 632 : i32
    %mul3A_7 = arith.muli %arg1, %mul3A_6 : i32
    %multiple_of3A = tpu.assume_multiple %mul3A_7, 8 : i32
    %add3A_8 = arith.constant 0 : i32
    %add3A_9 = arith.addi %multiple_of3A, %add3A_8 : i32
    "tpu.region"() ({
      %run_scoped3A = tpu.sem_alloc : memref<!tpu.dma_semaphore, #tpu.memory_space<semaphore_mem>>
      %dma_start3A_173 = arith.constant 0 : i32
      %dma_start3A_174 = tpu.memref_slice %arg14[%add3A_9, %dma_start3A_173] : memref<10112x128xf32, #tpu.memory_space<vmem_shared>> -> memref<128x128xf32, #tpu.memory_space<vmem_shared>>
      %dma_start3A_175 = arith.constant 0 : i32
      %dma_start3A_176 = tpu.memref_slice %arg14[%add3A_9, %dma_start3A_175] : memref<10112x128xf32, #tpu.memory_space<vmem_shared>> -> memref<128x128xf32, #tpu.memory_space<vmem_shared>>
      tpu.enqueue_dma source(%arg11 : memref<128x128xf32, #tpu.memory_space<vmem>>) target(%dma_start3A_176 : memref<128x128xf32, #tpu.memory_space<vmem_shared>>) target_semaphore(%run_scoped3A : memref<!tpu.dma_semaphore, #tpu.memory_space<semaphore_mem>>)
      %dma_wait3A_177 = arith.constant 0 : i32
      %dma_wait3A_178 = tpu.memref_slice %arg14[%add3A_9, %dma_wait3A_177] : memref<10112x128xf32, #tpu.memory_space<vmem_shared>> -> memref<128x128xf32, #tpu.memory_space<vmem_shared>>
      %dma_wait3A_179 = arith.constant 0 : i32
      %dma_wait3A_180 = tpu.memref_slice %arg14[%add3A_9, %dma_wait3A_179] : memref<10112x128xf32, #tpu.memory_space<vmem_shared>> -> memref<128x128xf32, #tpu.memory_space<vmem_shared>>
      tpu.wait_dma2 semaphore(%run_scoped3A : memref<!tpu.dma_semaphore, #tpu.memory_space<semaphore_mem>>) src(%arg11 : memref<128x128xf32, #tpu.memory_space<vmem>>) dst(%dma_wait3A_180 : memref<128x128xf32, #tpu.memory_space<vmem_shared>>)
      tpu.yield
    }) : () -> ()
    %add3A_10 = arith.constant 128 : i32
    %add3A_11 = arith.addi %multiple_of3A, %add3A_10 : i32
    "tpu.region"() ({
      %run_scoped3A = tpu.sem_alloc : memref<!tpu.dma_semaphore, #tpu.memory_space<semaphore_mem>>
      %dma_start3A_173 = arith.constant 0 : i32
      %dma_start3A_174 = tpu.memref_slice %arg14[%add3A_11, %dma_start3A_173] : memref<10112x128xf32, #tpu.memory_space<vmem_shared>> -> memref<128x128xf32, #tpu.memory_space<vmem_shared>>
      %dma_start3A_175 = arith.constant 0 : i32
      %dma_start3A_176 = tpu.memref_slice %arg14[%add3A_11, %dma_start3A_175] : memref<10112x128xf32, #tpu.memory_space<vmem_shared>> -> memref<128x128xf32, #tpu.memory_space<vmem_shared>>
      tpu.enqueue_dma source(%arg11 : memref<128x128xf32, #tpu.memory_space<vmem>>) target(%dma_start3A_176 : memref<128x128xf32, #tpu.memory_space<vmem_shared>>) target_semaphore(%run_scoped3A : memref<!tpu.dma_semaphore, #tpu.memory_space<semaphore_mem>>)
      %dma_wait3A_177 = arith.constant 0 : i32
      %dma_wait3A_178 = tpu.memref_slice %arg14[%add3A_11, %dma_wait3A_177] : memref<10112x128xf32, #tpu.memory_space<vmem_shared>> -> memref<128x128xf32, #tpu.memory_space<vmem_shared>>
      %dma_wait3A_179 = arith.constant 0 : i32
      %dma_wait3A_180 = tpu.memref_slice %arg14[%add3A_11, %dma_wait3A_179] : memref<10112x128xf32, #tpu.memory_space<vmem_shared>> -> memref<128x128xf32, #tpu.memory_space<vmem_shared>>
      tpu.wait_dma2 semaphore(%run_scoped3A : memref<!tpu.dma_semaphore, #tpu.memory_space<semaphore_mem>>) src(%arg11 : memref<128x128xf32, #tpu.memory_space<vmem>>) dst(%dma_wait3A_180 : memref<128x128xf32, #tpu.memory_space<vmem_shared>>)
      tpu.yield
    }) : () -> ()
    %add3A_12 = arith.constant 256 : i32
    %add3A_13 = arith.addi %multiple_of3A, %add3A_12 : i32
    "tpu.region"() ({
      %run_scoped3A = tpu.sem_alloc : memref<!tpu.dma_semaphore, #tpu.memory_space<semaphore_mem>>
      %dma_start3A_173 = arith.constant 0 : i32
      %dma_start3A_174 = tpu.memref_slice %arg14[%add3A_13, %dma_start3A_173] : memref<10112x128xf32, #tpu.memory_space<vmem_shared>> -> memref<128x128xf32, #tpu.memory_space<vmem_shared>>
      %dma_start3A_175 = arith.constant 0 : i32
      %dma_start3A_176 = tpu.memref_slice %arg14[%add3A_13, %dma_start3A_175] : memref<10112x128xf32, #tpu.memory_space<vmem_shared>> -> memref<128x128xf32, #tpu.memory_space<vmem_shared>>
      tpu.enqueue_dma source(%arg11 : memref<128x128xf32, #tpu.memory_space<vmem>>) target(%dma_start3A_176 : memref<128x128xf32, #tpu.memory_space<vmem_shared>>) target_semaphore(%run_scoped3A : memref<!tpu.dma_semaphore, #tpu.memory_space<semaphore_mem>>)
      %dma_wait3A_177 = arith.constant 0 : i32
      %dma_wait3A_178 = tpu.memref_slice %arg14[%add3A_13, %dma_wait3A_177] : memref<10112x128xf32, #tpu.memory_space<vmem_shared>> -> memref<128x128xf32, #tpu.memory_space<vmem_shared>>
      %dma_wait3A_179 = arith.constant 0 : i32
      %dma_wait3A_180 = tpu.memref_slice %arg14[%add3A_13, %dma_wait3A_179] : memref<10112x128xf32, #tpu.memory_space<vmem_shared>> -> memref<128x128xf32, #tpu.memory_space<vmem_shared>>
      tpu.wait_dma2 semaphore(%run_scoped3A : memref<!tpu.dma_semaphore, #tpu.memory_space<semaphore_mem>>) src(%arg11 : memref<128x128xf32, #tpu.memory_space<vmem>>) dst(%dma_wait3A_180 : memref<128x128xf32, #tpu.memory_space<vmem_shared>>)
      tpu.yield
    }) : () -> ()
    %add3A_14 = arith.constant 384 : i32
    %add3A_15 = arith.addi %multiple_of3A, %add3A_14 : i32
    "tpu.region"() ({
      %run_scoped3A = tpu.sem_alloc : memref<!tpu.dma_semaphore, #tpu.memory_space<semaphore_mem>>
      %dma_start3A_173 = arith.constant 0 : i32
      %dma_start3A_174 = tpu.memref_slice %arg14[%add3A_15, %dma_start3A_173] : memref<10112x128xf32, #tpu.memory_space<vmem_shared>> -> memref<128x128xf32, #tpu.memory_space<vmem_shared>>
      %dma_start3A_175 = arith.constant 0 : i32
      %dma_start3A_176 = tpu.memref_slice %arg14[%add3A_15, %dma_start3A_175] : memref<10112x128xf32, #tpu.memory_space<vmem_shared>> -> memref<128x128xf32, #tpu.memory_space<vmem_shared>>
      tpu.enqueue_dma source(%arg11 : memref<128x128xf32, #tpu.memory_space<vmem>>) target(%dma_start3A_176 : memref<128x128xf32, #tpu.memory_space<vmem_shared>>) target_semaphore(%run_scoped3A : memref<!tpu.dma_semaphore, #tpu.memory_space<semaphore_mem>>)
      %dma_wait3A_177 = arith.constant 0 : i32
      %dma_wait3A_178 = tpu.memref_slice %arg14[%add3A_15, %dma_wait3A_177] : memref<10112x128xf32, #tpu.memory_space<vmem_shared>> -> memref<128x128xf32, #tpu.memory_space<vmem_shared>>
      %dma_wait3A_179 = arith.constant 0 : i32
      %dma_wait3A_180 = tpu.memref_slice %arg14[%add3A_15, %dma_wait3A_179] : memref<10112x128xf32, #tpu.memory_space<vmem_shared>> -> memref<128x128xf32, #tpu.memory_space<vmem_shared>>
      tpu.wait_dma2 semaphore(%run_scoped3A : memref<!tpu.dma_semaphore, #tpu.memory_space<semaphore_mem>>) src(%arg11 : memref<128x128xf32, #tpu.memory_space<vmem>>) dst(%dma_wait3A_180 : memref<128x128xf32, #tpu.memory_space<vmem_shared>>)
      tpu.yield
    }) : () -> ()
    %add3A_16 = arith.constant 632 : i32
    %add3A_17 = arith.addi %multiple_of3A, %add3A_16 : i32
    %sub3A = arith.constant 120 : i32
    %sub3A_18 = arith.subi %add3A_17, %sub3A : i32
    "tpu.region"() ({
      %run_scoped3A = tpu.sem_alloc : memref<!tpu.dma_semaphore, #tpu.memory_space<semaphore_mem>>
      %dma_start3A_173 = arith.constant 0 : i32
      %dma_start3A_174 = arith.constant 0 : i32
      %dma_start3A_175 = tpu.memref_slice %arg11[%dma_start3A_173, %dma_start3A_174] : memref<128x128xf32, #tpu.memory_space<vmem>> -> memref<120x128xf32, #tpu.memory_space<vmem>>
      %dma_start3A_176 = arith.constant 0 : i32
      %dma_start3A_177 = tpu.memref_slice %arg14[%sub3A_18, %dma_start3A_176] : memref<10112x128xf32, #tpu.memory_space<vmem_shared>> -> memref<120x128xf32, #tpu.memory_space<vmem_shared>>
      %dma_start3A_178 = arith.constant 0 : i32
      %dma_start3A_179 = tpu.memref_slice %arg14[%sub3A_18, %dma_start3A_178] : memref<10112x128xf32, #tpu.memory_space<vmem_shared>> -> memref<120x128xf32, #tpu.memory_space<vmem_shared>>
      %dma_start3A_180 = arith.constant 0 : i32
      %dma_start3A_181 = arith.constant 0 : i32
      %dma_start3A_182 = tpu.memref_slice %arg11[%dma_start3A_180, %dma_start3A_181] : memref<128x128xf32, #tpu.memory_space<vmem>> -> memref<120x128xf32, #tpu.memory_space<vmem>>
      tpu.enqueue_dma source(%dma_start3A_182 : memref<120x128xf32, #tpu.memory_space<vmem>>) target(%dma_start3A_179 : memref<120x128xf32, #tpu.memory_space<vmem_shared>>) target_semaphore(%run_scoped3A : memref<!tpu.dma_semaphore, #tpu.memory_space<semaphore_mem>>)
      %dma_wait3A_183 = arith.constant 0 : i32
      %dma_wait3A_184 = arith.constant 0 : i32
      %dma_wait3A_185 = tpu.memref_slice %arg11[%dma_wait3A_183, %dma_wait3A_184] : memref<128x128xf32, #tpu.memory_space<vmem>> -> memref<120x128xf32, #tpu.memory_space<vmem>>
      %dma_wait3A_186 = arith.constant 0 : i32
      %dma_wait3A_187 = tpu.memref_slice %arg14[%sub3A_18, %dma_wait3A_186] : memref<10112x128xf32, #tpu.memory_space<vmem_shared>> -> memref<120x128xf32, #tpu.memory_space<vmem_shared>>
      %dma_wait3A_188 = arith.constant 0 : i32
      %dma_wait3A_189 = tpu.memref_slice %arg14[%sub3A_18, %dma_wait3A_188] : memref<10112x128xf32, #tpu.memory_space<vmem_shared>> -> memref<120x128xf32, #tpu.memory_space<vmem_shared>>
      %dma_wait3A_190 = arith.constant 0 : i32
      %dma_wait3A_191 = arith.constant 0 : i32
      %dma_wait3A_192 = tpu.memref_slice %arg11[%dma_wait3A_190, %dma_wait3A_191] : memref<128x128xf32, #tpu.memory_space<vmem>> -> memref<120x128xf32, #tpu.memory_space<vmem>>
      tpu.wait_dma2 semaphore(%run_scoped3A : memref<!tpu.dma_semaphore, #tpu.memory_space<semaphore_mem>>) src(%dma_wait3A_192 : memref<120x128xf32, #tpu.memory_space<vmem>>) dst(%dma_wait3A_189 : memref<120x128xf32, #tpu.memory_space<vmem_shared>>)
      tpu.yield
    }) : () -> ()
    %mul3A_19 = arith.constant 10000 : i32
    %mul3A_20 = arith.muli %add3A, %mul3A_19 : i32
    %multiple_of3A_21 = tpu.assume_multiple %mul3A_20, 8 : i32
    %barrier3A = arith.constant 0 : index
    tpu.barrier barrier_id(%barrier3A)
    %multiple_of3A_22 = arith.constant 0 : i32
    %multiple_of3A_23 = tpu.assume_multiple %multiple_of3A_22, 8 : i32
    %add3A_24 = arith.addi %multiple_of3A_21, %multiple_of3A_23 : i32
    %dma_start3A = tpu.memref_slice %arg3[%add3A_24] : memref<640000xi32, #tpu.memory_space<hbm>> -> memref<128xi32, #tpu.memory_space<hbm>>
    %dma_start3A_25 = tpu.memref_slice %arg3[%add3A_24] : memref<640000xi32, #tpu.memory_space<hbm>> -> memref<128xi32, #tpu.memory_space<hbm>>
    tpu.enqueue_dma source(%dma_start3A_25 : memref<128xi32, #tpu.memory_space<hbm>>) target(%arg5 : memref<128xi32, #tpu.memory_space<vmem>>) target_semaphore(%arg15 : memref<!tpu.dma_semaphore, #tpu.memory_space<semaphore_mem>>)
    %multiple_of3A_26 = arith.constant 0 : i32
    %multiple_of3A_27 = tpu.assume_multiple %multiple_of3A_26, 8 : i32
    %add3A_28 = arith.constant 320000 : i32
    %add3A_29 = arith.addi %add3A_28, %multiple_of3A_21 : i32
    %add3A_30 = arith.addi %add3A_29, %multiple_of3A_27 : i32
    %dma_start3A_31 = tpu.memref_slice %arg3[%add3A_30] : memref<640000xi32, #tpu.memory_space<hbm>> -> memref<128xi32, #tpu.memory_space<hbm>>
    %dma_start3A_32 = tpu.memref_slice %arg3[%add3A_30] : memref<640000xi32, #tpu.memory_space<hbm>> -> memref<128xi32, #tpu.memory_space<hbm>>
    tpu.enqueue_dma source(%dma_start3A_32 : memref<128xi32, #tpu.memory_space<hbm>>) target(%arg8 : memref<128xi32, #tpu.memory_space<vmem>>) target_semaphore(%arg16 : memref<!tpu.dma_semaphore, #tpu.memory_space<semaphore_mem>>)
    %multiple_of3A_33 = arith.constant 128 : i32
    %multiple_of3A_34 = tpu.assume_multiple %multiple_of3A_33, 8 : i32
    %add3A_35 = arith.addi %multiple_of3A_21, %multiple_of3A_34 : i32
    %dma_start3A_36 = tpu.memref_slice %arg3[%add3A_35] : memref<640000xi32, #tpu.memory_space<hbm>> -> memref<128xi32, #tpu.memory_space<hbm>>
    %dma_start3A_37 = tpu.memref_slice %arg3[%add3A_35] : memref<640000xi32, #tpu.memory_space<hbm>> -> memref<128xi32, #tpu.memory_space<hbm>>
    tpu.enqueue_dma source(%dma_start3A_37 : memref<128xi32, #tpu.memory_space<hbm>>) target(%arg6 : memref<128xi32, #tpu.memory_space<vmem>>) target_semaphore(%arg15 : memref<!tpu.dma_semaphore, #tpu.memory_space<semaphore_mem>>)
    %multiple_of3A_38 = arith.constant 128 : i32
    %multiple_of3A_39 = tpu.assume_multiple %multiple_of3A_38, 8 : i32
    %add3A_40 = arith.constant 320000 : i32
    %add3A_41 = arith.addi %add3A_40, %multiple_of3A_21 : i32
    %add3A_42 = arith.addi %add3A_41, %multiple_of3A_39 : i32
    %dma_start3A_43 = tpu.memref_slice %arg3[%add3A_42] : memref<640000xi32, #tpu.memory_space<hbm>> -> memref<128xi32, #tpu.memory_space<hbm>>
    %dma_start3A_44 = tpu.memref_slice %arg3[%add3A_42] : memref<640000xi32, #tpu.memory_space<hbm>> -> memref<128xi32, #tpu.memory_space<hbm>>
    tpu.enqueue_dma source(%dma_start3A_44 : memref<128xi32, #tpu.memory_space<hbm>>) target(%arg9 : memref<128xi32, #tpu.memory_space<vmem>>) target_semaphore(%arg16 : memref<!tpu.dma_semaphore, #tpu.memory_space<semaphore_mem>>)
    %multiple_of3A_45 = arith.constant 256 : i32
    %multiple_of3A_46 = tpu.assume_multiple %multiple_of3A_45, 8 : i32
    %add3A_47 = arith.addi %multiple_of3A_21, %multiple_of3A_46 : i32
    %dma_start3A_48 = tpu.memref_slice %arg3[%add3A_47] : memref<640000xi32, #tpu.memory_space<hbm>> -> memref<128xi32, #tpu.memory_space<hbm>>
    %dma_start3A_49 = tpu.memref_slice %arg3[%add3A_47] : memref<640000xi32, #tpu.memory_space<hbm>> -> memref<128xi32, #tpu.memory_space<hbm>>
    tpu.enqueue_dma source(%dma_start3A_49 : memref<128xi32, #tpu.memory_space<hbm>>) target(%arg7 : memref<128xi32, #tpu.memory_space<vmem>>) target_semaphore(%arg15 : memref<!tpu.dma_semaphore, #tpu.memory_space<semaphore_mem>>)
    %multiple_of3A_50 = arith.constant 256 : i32
    %multiple_of3A_51 = tpu.assume_multiple %multiple_of3A_50, 8 : i32
    %add3A_52 = arith.constant 320000 : i32
    %add3A_53 = arith.addi %add3A_52, %multiple_of3A_21 : i32
    %add3A_54 = arith.addi %add3A_53, %multiple_of3A_51 : i32
    %dma_start3A_55 = tpu.memref_slice %arg3[%add3A_54] : memref<640000xi32, #tpu.memory_space<hbm>> -> memref<128xi32, #tpu.memory_space<hbm>>
    %dma_start3A_56 = tpu.memref_slice %arg3[%add3A_54] : memref<640000xi32, #tpu.memory_space<hbm>> -> memref<128xi32, #tpu.memory_space<hbm>>
    tpu.enqueue_dma source(%dma_start3A_56 : memref<128xi32, #tpu.memory_space<hbm>>) target(%arg10 : memref<128xi32, #tpu.memory_space<vmem>>) target_semaphore(%arg16 : memref<!tpu.dma_semaphore, #tpu.memory_space<semaphore_mem>>)
    %dma_wait3A = arith.constant 0 : i32
    %dma_wait3A_57 = tpu.memref_slice %arg3[%dma_wait3A] : memref<640000xi32, #tpu.memory_space<hbm>> -> memref<128xi32, #tpu.memory_space<hbm>>
    %dma_wait3A_58 = arith.constant 0 : i32
    %dma_wait3A_59 = tpu.memref_slice %arg3[%dma_wait3A_58] : memref<640000xi32, #tpu.memory_space<hbm>> -> memref<128xi32, #tpu.memory_space<hbm>>
    tpu.wait_dma2 semaphore(%arg15 : memref<!tpu.dma_semaphore, #tpu.memory_space<semaphore_mem>>) src(%dma_wait3A_59 : memref<128xi32, #tpu.memory_space<hbm>>) dst(%arg5 : memref<128xi32, #tpu.memory_space<vmem>>)
    %dma_start3A_60 = arith.constant 0 : i32
    %dma_start3A_61 = arith.constant 0 : i32
    %dma_start3A_62 = tpu.memref_slice %arg2[%dma_start3A_60, %dma_start3A_61] : memref<10000x128xf32, #tpu.memory_space<hbm>> -> memref<10000x128xf32, #tpu.memory_space<hbm>>
    tpu.enqueue_indirect_dma source(%dma_start3A_62 : memref<10000x128xf32, #tpu.memory_space<hbm>>) target(%arg11 : memref<128x128xf32, #tpu.memory_space<vmem>>) offsets(%arg5 : memref<128xi32, #tpu.memory_space<vmem>>) semaphore(%arg17 : memref<!tpu.dma_semaphore, #tpu.memory_space<semaphore_mem>>)
    %dma_wait3A_63 = arith.constant 0 : i32
    %dma_wait3A_64 = tpu.memref_slice %arg3[%dma_wait3A_63] : memref<640000xi32, #tpu.memory_space<hbm>> -> memref<128xi32, #tpu.memory_space<hbm>>
    %dma_wait3A_65 = arith.constant 0 : i32
    %dma_wait3A_66 = tpu.memref_slice %arg3[%dma_wait3A_65] : memref<640000xi32, #tpu.memory_space<hbm>> -> memref<128xi32, #tpu.memory_space<hbm>>
    tpu.wait_dma2 semaphore(%arg15 : memref<!tpu.dma_semaphore, #tpu.memory_space<semaphore_mem>>) src(%dma_wait3A_66 : memref<128xi32, #tpu.memory_space<hbm>>) dst(%arg6 : memref<128xi32, #tpu.memory_space<vmem>>)
    %dma_start3A_67 = arith.constant 0 : i32
    %dma_start3A_68 = arith.constant 0 : i32
    %dma_start3A_69 = tpu.memref_slice %arg2[%dma_start3A_67, %dma_start3A_68] : memref<10000x128xf32, #tpu.memory_space<hbm>> -> memref<10000x128xf32, #tpu.memory_space<hbm>>
    tpu.enqueue_indirect_dma source(%dma_start3A_69 : memref<10000x128xf32, #tpu.memory_space<hbm>>) target(%arg12 : memref<128x128xf32, #tpu.memory_space<vmem>>) offsets(%arg6 : memref<128xi32, #tpu.memory_space<vmem>>) semaphore(%arg17 : memref<!tpu.dma_semaphore, #tpu.memory_space<semaphore_mem>>)
    %dma_wait3A_70 = arith.constant 0 : i32
    %dma_wait3A_71 = tpu.memref_slice %arg3[%dma_wait3A_70] : memref<640000xi32, #tpu.memory_space<hbm>> -> memref<128xi32, #tpu.memory_space<hbm>>
    %dma_wait3A_72 = arith.constant 0 : i32
    %dma_wait3A_73 = tpu.memref_slice %arg3[%dma_wait3A_72] : memref<640000xi32, #tpu.memory_space<hbm>> -> memref<128xi32, #tpu.memory_space<hbm>>
    tpu.wait_dma2 semaphore(%arg15 : memref<!tpu.dma_semaphore, #tpu.memory_space<semaphore_mem>>) src(%dma_wait3A_73 : memref<128xi32, #tpu.memory_space<hbm>>) dst(%arg7 : memref<128xi32, #tpu.memory_space<vmem>>)
    %dma_start3A_74 = arith.constant 0 : i32
    %dma_start3A_75 = arith.constant 0 : i32
    %dma_start3A_76 = tpu.memref_slice %arg2[%dma_start3A_74, %dma_start3A_75] : memref<10000x128xf32, #tpu.memory_space<hbm>> -> memref<10000x128xf32, #tpu.memory_space<hbm>>
    tpu.enqueue_indirect_dma source(%dma_start3A_76 : memref<10000x128xf32, #tpu.memory_space<hbm>>) target(%arg13 : memref<128x128xf32, #tpu.memory_space<vmem>>) offsets(%arg7 : memref<128xi32, #tpu.memory_space<vmem>>) semaphore(%arg17 : memref<!tpu.dma_semaphore, #tpu.memory_space<semaphore_mem>>)
    %scan3A_77 = arith.constant 0 : i32
    %scan3A_78 = arith.constant 0 : i32
    %scan3A_79 = arith.constant 25 : i32
    %scan3A_80 = arith.addi %scan3A_78, %scan3A_79 : i32
    %scan3A_81 = arith.constant 1 : i32
    scf.for %scan3A_173 = %scan3A_78 to %scan3A_80 step %scan3A_81  : i32 {
      %mul3A_174 = arith.constant 3 : i32
      %mul3A_175 = arith.muli %mul3A_174, %scan3A_173 : i32
      %add3A_176 = arith.constant 0 : i32
      %add3A_177 = arith.addi %mul3A_175, %add3A_176 : i32
      %dma_wait3A_178 = arith.constant 0 : i32
      %dma_wait3A_179 = arith.constant 0 : i32
      %dma_wait3A_180 = tpu.memref_slice %arg2[%dma_wait3A_178, %dma_wait3A_179] : memref<10000x128xf32, #tpu.memory_space<hbm>> -> memref<10000x128xf32, #tpu.memory_space<hbm>>
      tpu.wait_indirect_dma semaphore(%arg17 : memref<!tpu.dma_semaphore, #tpu.memory_space<semaphore_mem>>) src(%dma_wait3A_180 : memref<10000x128xf32, #tpu.memory_space<hbm>>) dst(%arg11 : memref<128x128xf32, #tpu.memory_space<vmem>>)
      %dma_wait3A_181 = arith.constant 0 : i32
      %dma_wait3A_182 = tpu.memref_slice %arg3[%dma_wait3A_181] : memref<640000xi32, #tpu.memory_space<hbm>> -> memref<128xi32, #tpu.memory_space<hbm>>
      %dma_wait3A_183 = arith.constant 0 : i32
      %dma_wait3A_184 = tpu.memref_slice %arg3[%dma_wait3A_183] : memref<640000xi32, #tpu.memory_space<hbm>> -> memref<128xi32, #tpu.memory_space<hbm>>
      tpu.wait_dma2 semaphore(%arg16 : memref<!tpu.dma_semaphore, #tpu.memory_space<semaphore_mem>>) src(%dma_wait3A_184 : memref<128xi32, #tpu.memory_space<hbm>>) dst(%arg8 : memref<128xi32, #tpu.memory_space<vmem>>)
      %dma_start3A_185 = arith.constant 0 : i32
      %dma_start3A_186 = arith.constant 0 : i32
      %dma_start3A_187 = tpu.memref_slice %arg14[%dma_start3A_185, %dma_start3A_186] : memref<10112x128xf32, #tpu.memory_space<vmem_shared>> -> memref<10112x128xf32, #tpu.memory_space<vmem_shared>>
      tpu.enqueue_indirect_dma source(%arg11 : memref<128x128xf32, #tpu.memory_space<vmem>>) target(%dma_start3A_187 : memref<10112x128xf32, #tpu.memory_space<vmem_shared>>) offsets(%arg8 : memref<128xi32, #tpu.memory_space<vmem>>) semaphore(%arg18 : memref<!tpu.dma_semaphore, #tpu.memory_space<semaphore_mem>>) {add = true}
      %add3A_188 = arith.constant 3 : i32
      %add3A_189 = arith.addi %add3A_177, %add3A_188 : i32
      %mul3A_190 = arith.constant 128 : i32
      %mul3A_191 = arith.muli %add3A_189, %mul3A_190 : i32
      %multiple_of3A_192 = tpu.assume_multiple %mul3A_191, 8 : i32
      %add3A_193 = arith.addi %multiple_of3A_21, %multiple_of3A_192 : i32
      %dma_start3A_194 = tpu.memref_slice %arg3[%add3A_193] : memref<640000xi32, #tpu.memory_space<hbm>> -> memref<128xi32, #tpu.memory_space<hbm>>
      %dma_start3A_195 = tpu.memref_slice %arg3[%add3A_193] : memref<640000xi32, #tpu.memory_space<hbm>> -> memref<128xi32, #tpu.memory_space<hbm>>
      tpu.enqueue_dma source(%dma_start3A_195 : memref<128xi32, #tpu.memory_space<hbm>>) target(%arg5 : memref<128xi32, #tpu.memory_space<vmem>>) target_semaphore(%arg15 : memref<!tpu.dma_semaphore, #tpu.memory_space<semaphore_mem>>)
      %add3A_196 = arith.constant 1 : i32
      %add3A_197 = arith.addi %mul3A_175, %add3A_196 : i32
      %dma_wait3A_198 = arith.constant 0 : i32
      %dma_wait3A_199 = arith.constant 0 : i32
      %dma_wait3A_200 = tpu.memref_slice %arg2[%dma_wait3A_198, %dma_wait3A_199] : memref<10000x128xf32, #tpu.memory_space<hbm>> -> memref<10000x128xf32, #tpu.memory_space<hbm>>
      tpu.wait_indirect_dma semaphore(%arg17 : memref<!tpu.dma_semaphore, #tpu.memory_space<semaphore_mem>>) src(%dma_wait3A_200 : memref<10000x128xf32, #tpu.memory_space<hbm>>) dst(%arg12 : memref<128x128xf32, #tpu.memory_space<vmem>>)
      %dma_wait3A_201 = arith.constant 0 : i32
      %dma_wait3A_202 = tpu.memref_slice %arg3[%dma_wait3A_201] : memref<640000xi32, #tpu.memory_space<hbm>> -> memref<128xi32, #tpu.memory_space<hbm>>
      %dma_wait3A_203 = arith.constant 0 : i32
      %dma_wait3A_204 = tpu.memref_slice %arg3[%dma_wait3A_203] : memref<640000xi32, #tpu.memory_space<hbm>> -> memref<128xi32, #tpu.memory_space<hbm>>
      tpu.wait_dma2 semaphore(%arg16 : memref<!tpu.dma_semaphore, #tpu.memory_space<semaphore_mem>>) src(%dma_wait3A_204 : memref<128xi32, #tpu.memory_space<hbm>>) dst(%arg9 : memref<128xi32, #tpu.memory_space<vmem>>)
      %dma_start3A_205 = arith.constant 0 : i32
      %dma_start3A_206 = arith.constant 0 : i32
      %dma_start3A_207 = tpu.memref_slice %arg14[%dma_start3A_205, %dma_start3A_206] : memref<10112x128xf32, #tpu.memory_space<vmem_shared>> -> memref<10112x128xf32, #tpu.memory_space<vmem_shared>>
      tpu.enqueue_indirect_dma source(%arg12 : memref<128x128xf32, #tpu.memory_space<vmem>>) target(%dma_start3A_207 : memref<10112x128xf32, #tpu.memory_space<vmem_shared>>) offsets(%arg9 : memref<128xi32, #tpu.memory_space<vmem>>) semaphore(%arg18 : memref<!tpu.dma_semaphore, #tpu.memory_space<semaphore_mem>>) {add = true}
      %add3A_208 = arith.constant 3 : i32
      %add3A_209 = arith.addi %add3A_197, %add3A_208 : i32
      %mul3A_210 = arith.constant 128 : i32
      %mul3A_211 = arith.muli %add3A_209, %mul3A_210 : i32
      %multiple_of3A_212 = tpu.assume_multiple %mul3A_211, 8 : i32
      %add3A_213 = arith.addi %multiple_of3A_21, %multiple_of3A_212 : i32
      %dma_start3A_214 = tpu.memref_slice %arg3[%add3A_213] : memref<640000xi32, #tpu.memory_space<hbm>> -> memref<128xi32, #tpu.memory_space<hbm>>
      %dma_start3A_215 = tpu.memref_slice %arg3[%add3A_213] : memref<640000xi32, #tpu.memory_space<hbm>> -> memref<128xi32, #tpu.memory_space<hbm>>
      tpu.enqueue_dma source(%dma_start3A_215 : memref<128xi32, #tpu.memory_space<hbm>>) target(%arg6 : memref<128xi32, #tpu.memory_space<vmem>>) target_semaphore(%arg15 : memref<!tpu.dma_semaphore, #tpu.memory_space<semaphore_mem>>)
      %add3A_216 = arith.constant 2 : i32
      %add3A_217 = arith.addi %mul3A_175, %add3A_216 : i32
      %dma_wait3A_218 = arith.constant 0 : i32
      %dma_wait3A_219 = arith.constant 0 : i32
      %dma_wait3A_220 = tpu.memref_slice %arg2[%dma_wait3A_218, %dma_wait3A_219] : memref<10000x128xf32, #tpu.memory_space<hbm>> -> memref<10000x128xf32, #tpu.memory_space<hbm>>
      tpu.wait_indirect_dma semaphore(%arg17 : memref<!tpu.dma_semaphore, #tpu.memory_space<semaphore_mem>>) src(%dma_wait3A_220 : memref<10000x128xf32, #tpu.memory_space<hbm>>) dst(%arg13 : memref<128x128xf32, #tpu.memory_space<vmem>>)
      %dma_wait3A_221 = arith.constant 0 : i32
      %dma_wait3A_222 = tpu.memref_slice %arg3[%dma_wait3A_221] : memref<640000xi32, #tpu.memory_space<hbm>> -> memref<128xi32, #tpu.memory_space<hbm>>
      %dma_wait3A_223 = arith.constant 0 : i32
      %dma_wait3A_224 = tpu.memref_slice %arg3[%dma_wait3A_223] : memref<640000xi32, #tpu.memory_space<hbm>> -> memref<128xi32, #tpu.memory_space<hbm>>
      tpu.wait_dma2 semaphore(%arg16 : memref<!tpu.dma_semaphore, #tpu.memory_space<semaphore_mem>>) src(%dma_wait3A_224 : memref<128xi32, #tpu.memory_space<hbm>>) dst(%arg10 : memref<128xi32, #tpu.memory_space<vmem>>)
      %dma_start3A_225 = arith.constant 0 : i32
      %dma_start3A_226 = arith.constant 0 : i32
      %dma_start3A_227 = tpu.memref_slice %arg14[%dma_start3A_225, %dma_start3A_226] : memref<10112x128xf32, #tpu.memory_space<vmem_shared>> -> memref<10112x128xf32, #tpu.memory_space<vmem_shared>>
      tpu.enqueue_indirect_dma source(%arg13 : memref<128x128xf32, #tpu.memory_space<vmem>>) target(%dma_start3A_227 : memref<10112x128xf32, #tpu.memory_space<vmem_shared>>) offsets(%arg10 : memref<128xi32, #tpu.memory_space<vmem>>) semaphore(%arg18 : memref<!tpu.dma_semaphore, #tpu.memory_space<semaphore_mem>>) {add = true}
      %add3A_228 = arith.constant 3 : i32
      %add3A_229 = arith.addi %add3A_217, %add3A_228 : i32
      %mul3A_230 = arith.constant 128 : i32
      %mul3A_231 = arith.muli %add3A_229, %mul3A_230 : i32
      %multiple_of3A_232 = tpu.assume_multiple %mul3A_231, 8 : i32
      %add3A_233 = arith.addi %multiple_of3A_21, %multiple_of3A_232 : i32
      %dma_start3A_234 = tpu.memref_slice %arg3[%add3A_233] : memref<640000xi32, #tpu.memory_space<hbm>> -> memref<128xi32, #tpu.memory_space<hbm>>
      %dma_start3A_235 = tpu.memref_slice %arg3[%add3A_233] : memref<640000xi32, #tpu.memory_space<hbm>> -> memref<128xi32, #tpu.memory_space<hbm>>
      tpu.enqueue_dma source(%dma_start3A_235 : memref<128xi32, #tpu.memory_space<hbm>>) target(%arg7 : memref<128xi32, #tpu.memory_space<vmem>>) target_semaphore(%arg15 : memref<!tpu.dma_semaphore, #tpu.memory_space<semaphore_mem>>)
      %dma_wait3A_236 = arith.constant 0 : i32
      %dma_wait3A_237 = arith.constant 0 : i32
      %dma_wait3A_238 = tpu.memref_slice %arg14[%dma_wait3A_236, %dma_wait3A_237] : memref<10112x128xf32, #tpu.memory_space<vmem_shared>> -> memref<10112x128xf32, #tpu.memory_space<vmem_shared>>
      tpu.wait_indirect_dma semaphore(%arg18 : memref<!tpu.dma_semaphore, #tpu.memory_space<semaphore_mem>>) src(%arg11 : memref<128x128xf32, #tpu.memory_space<vmem>>) dst(%dma_wait3A_238 : memref<10112x128xf32, #tpu.memory_space<vmem_shared>>)
      %add3A_239 = arith.constant 0 : i32
      %add3A_240 = arith.addi %mul3A_175, %add3A_239 : i32
      %add3A_241 = arith.constant 3 : i32
      %add3A_242 = arith.addi %add3A_240, %add3A_241 : i32
      %mul3A_243 = arith.constant 128 : i32
      %mul3A_244 = arith.muli %add3A_242, %mul3A_243 : i32
      %multiple_of3A_245 = tpu.assume_multiple %mul3A_244, 8 : i32
      %add3A_246 = arith.constant 320000 : i32
      %add3A_247 = arith.addi %add3A_246, %multiple_of3A_21 : i32
      %add3A_248 = arith.addi %add3A_247, %multiple_of3A_245 : i32
      %dma_start3A_249 = tpu.memref_slice %arg3[%add3A_248] : memref<640000xi32, #tpu.memory_space<hbm>> -> memref<128xi32, #tpu.memory_space<hbm>>
      %dma_start3A_250 = tpu.memref_slice %arg3[%add3A_248] : memref<640000xi32, #tpu.memory_space<hbm>> -> memref<128xi32, #tpu.memory_space<hbm>>
      tpu.enqueue_dma source(%dma_start3A_250 : memref<128xi32, #tpu.memory_space<hbm>>) target(%arg8 : memref<128xi32, #tpu.memory_space<vmem>>) target_semaphore(%arg16 : memref<!tpu.dma_semaphore, #tpu.memory_space<semaphore_mem>>)
      %dma_wait3A_251 = arith.constant 0 : i32
      %dma_wait3A_252 = tpu.memref_slice %arg3[%dma_wait3A_251] : memref<640000xi32, #tpu.memory_space<hbm>> -> memref<128xi32, #tpu.memory_space<hbm>>
      %dma_wait3A_253 = arith.constant 0 : i32
      %dma_wait3A_254 = tpu.memref_slice %arg3[%dma_wait3A_253] : memref<640000xi32, #tpu.memory_space<hbm>> -> memref<128xi32, #tpu.memory_space<hbm>>
      tpu.wait_dma2 semaphore(%arg15 : memref<!tpu.dma_semaphore, #tpu.memory_space<semaphore_mem>>) src(%dma_wait3A_254 : memref<128xi32, #tpu.memory_space<hbm>>) dst(%arg5 : memref<128xi32, #tpu.memory_space<vmem>>)
      %add3A_255 = arith.constant 0 : i32
      %add3A_256 = arith.addi %mul3A_175, %add3A_255 : i32
      %add3A_257 = arith.constant 3 : i32
      %add3A_258 = arith.addi %add3A_256, %add3A_257 : i32
      %dma_start3A_259 = arith.constant 0 : i32
      %dma_start3A_260 = arith.constant 0 : i32
      %dma_start3A_261 = tpu.memref_slice %arg2[%dma_start3A_259, %dma_start3A_260] : memref<10000x128xf32, #tpu.memory_space<hbm>> -> memref<10000x128xf32, #tpu.memory_space<hbm>>
      tpu.enqueue_indirect_dma source(%dma_start3A_261 : memref<10000x128xf32, #tpu.memory_space<hbm>>) target(%arg11 : memref<128x128xf32, #tpu.memory_space<vmem>>) offsets(%arg5 : memref<128xi32, #tpu.memory_space<vmem>>) semaphore(%arg17 : memref<!tpu.dma_semaphore, #tpu.memory_space<semaphore_mem>>)
      %dma_wait3A_262 = arith.constant 0 : i32
      %dma_wait3A_263 = arith.constant 0 : i32
      %dma_wait3A_264 = tpu.memref_slice %arg14[%dma_wait3A_262, %dma_wait3A_263] : memref<10112x128xf32, #tpu.memory_space<vmem_shared>> -> memref<10112x128xf32, #tpu.memory_space<vmem_shared>>
      tpu.wait_indirect_dma semaphore(%arg18 : memref<!tpu.dma_semaphore, #tpu.memory_space<semaphore_mem>>) src(%arg12 : memref<128x128xf32, #tpu.memory_space<vmem>>) dst(%dma_wait3A_264 : memref<10112x128xf32, #tpu.memory_space<vmem_shared>>)
      %add3A_265 = arith.constant 1 : i32
      %add3A_266 = arith.addi %mul3A_175, %add3A_265 : i32
      %add3A_267 = arith.constant 3 : i32
      %add3A_268 = arith.addi %add3A_266, %add3A_267 : i32
      %mul3A_269 = arith.constant 128 : i32
      %mul3A_270 = arith.muli %add3A_268, %mul3A_269 : i32
      %multiple_of3A_271 = tpu.assume_multiple %mul3A_270, 8 : i32
      %add3A_272 = arith.constant 320000 : i32
      %add3A_273 = arith.addi %add3A_272, %multiple_of3A_21 : i32
      %add3A_274 = arith.addi %add3A_273, %multiple_of3A_271 : i32
      %dma_start3A_275 = tpu.memref_slice %arg3[%add3A_274] : memref<640000xi32, #tpu.memory_space<hbm>> -> memref<128xi32, #tpu.memory_space<hbm>>
      %dma_start3A_276 = tpu.memref_slice %arg3[%add3A_274] : memref<640000xi32, #tpu.memory_space<hbm>> -> memref<128xi32, #tpu.memory_space<hbm>>
      tpu.enqueue_dma source(%dma_start3A_276 : memref<128xi32, #tpu.memory_space<hbm>>) target(%arg9 : memref<128xi32, #tpu.memory_space<vmem>>) target_semaphore(%arg16 : memref<!tpu.dma_semaphore, #tpu.memory_space<semaphore_mem>>)
      %dma_wait3A_277 = arith.constant 0 : i32
      %dma_wait3A_278 = tpu.memref_slice %arg3[%dma_wait3A_277] : memref<640000xi32, #tpu.memory_space<hbm>> -> memref<128xi32, #tpu.memory_space<hbm>>
      %dma_wait3A_279 = arith.constant 0 : i32
      %dma_wait3A_280 = tpu.memref_slice %arg3[%dma_wait3A_279] : memref<640000xi32, #tpu.memory_space<hbm>> -> memref<128xi32, #tpu.memory_space<hbm>>
      tpu.wait_dma2 semaphore(%arg15 : memref<!tpu.dma_semaphore, #tpu.memory_space<semaphore_mem>>) src(%dma_wait3A_280 : memref<128xi32, #tpu.memory_space<hbm>>) dst(%arg6 : memref<128xi32, #tpu.memory_space<vmem>>)
      %add3A_281 = arith.constant 1 : i32
      %add3A_282 = arith.addi %mul3A_175, %add3A_281 : i32
      %add3A_283 = arith.constant 3 : i32
      %add3A_284 = arith.addi %add3A_282, %add3A_283 : i32
      %dma_start3A_285 = arith.constant 0 : i32
      %dma_start3A_286 = arith.constant 0 : i32
      %dma_start3A_287 = tpu.memref_slice %arg2[%dma_start3A_285, %dma_start3A_286] : memref<10000x128xf32, #tpu.memory_space<hbm>> -> memref<10000x128xf32, #tpu.memory_space<hbm>>
      tpu.enqueue_indirect_dma source(%dma_start3A_287 : memref<10000x128xf32, #tpu.memory_space<hbm>>) target(%arg12 : memref<128x128xf32, #tpu.memory_space<vmem>>) offsets(%arg6 : memref<128xi32, #tpu.memory_space<vmem>>) semaphore(%arg17 : memref<!tpu.dma_semaphore, #tpu.memory_space<semaphore_mem>>)
      %dma_wait3A_288 = arith.constant 0 : i32
      %dma_wait3A_289 = arith.constant 0 : i32
      %dma_wait3A_290 = tpu.memref_slice %arg14[%dma_wait3A_288, %dma_wait3A_289] : memref<10112x128xf32, #tpu.memory_space<vmem_shared>> -> memref<10112x128xf32, #tpu.memory_space<vmem_shared>>
      tpu.wait_indirect_dma semaphore(%arg18 : memref<!tpu.dma_semaphore, #tpu.memory_space<semaphore_mem>>) src(%arg13 : memref<128x128xf32, #tpu.memory_space<vmem>>) dst(%dma_wait3A_290 : memref<10112x128xf32, #tpu.memory_space<vmem_shared>>)
      %add3A_291 = arith.constant 2 : i32
      %add3A_292 = arith.addi %mul3A_175, %add3A_291 : i32
      %add3A_293 = arith.constant 3 : i32
      %add3A_294 = arith.addi %add3A_292, %add3A_293 : i32
      %mul3A_295 = arith.constant 128 : i32
      %mul3A_296 = arith.muli %add3A_294, %mul3A_295 : i32
      %multiple_of3A_297 = tpu.assume_multiple %mul3A_296, 8 : i32
      %add3A_298 = arith.constant 320000 : i32
      %add3A_299 = arith.addi %add3A_298, %multiple_of3A_21 : i32
      %add3A_300 = arith.addi %add3A_299, %multiple_of3A_297 : i32
      %dma_start3A_301 = tpu.memref_slice %arg3[%add3A_300] : memref<640000xi32, #tpu.memory_space<hbm>> -> memref<128xi32, #tpu.memory_space<hbm>>
      %dma_start3A_302 = tpu.memref_slice %arg3[%add3A_300] : memref<640000xi32, #tpu.memory_space<hbm>> -> memref<128xi32, #tpu.memory_space<hbm>>
      tpu.enqueue_dma source(%dma_start3A_302 : memref<128xi32, #tpu.memory_space<hbm>>) target(%arg10 : memref<128xi32, #tpu.memory_space<vmem>>) target_semaphore(%arg16 : memref<!tpu.dma_semaphore, #tpu.memory_space<semaphore_mem>>)
      %dma_wait3A_303 = arith.constant 0 : i32
      %dma_wait3A_304 = tpu.memref_slice %arg3[%dma_wait3A_303] : memref<640000xi32, #tpu.memory_space<hbm>> -> memref<128xi32, #tpu.memory_space<hbm>>
      %dma_wait3A_305 = arith.constant 0 : i32
      %dma_wait3A_306 = tpu.memref_slice %arg3[%dma_wait3A_305] : memref<640000xi32, #tpu.memory_space<hbm>> -> memref<128xi32, #tpu.memory_space<hbm>>
      tpu.wait_dma2 semaphore(%arg15 : memref<!tpu.dma_semaphore, #tpu.memory_space<semaphore_mem>>) src(%dma_wait3A_306 : memref<128xi32, #tpu.memory_space<hbm>>) dst(%arg7 : memref<128xi32, #tpu.memory_space<vmem>>)
      %add3A_307 = arith.constant 2 : i32
      %add3A_308 = arith.addi %mul3A_175, %add3A_307 : i32
      %add3A_309 = arith.constant 3 : i32
      %add3A_310 = arith.addi %add3A_308, %add3A_309 : i32
      %dma_start3A_311 = arith.constant 0 : i32
      %dma_start3A_312 = arith.constant 0 : i32
      %dma_start3A_313 = tpu.memref_slice %arg2[%dma_start3A_311, %dma_start3A_312] : memref<10000x128xf32, #tpu.memory_space<hbm>> -> memref<10000x128xf32, #tpu.memory_space<hbm>>
      tpu.enqueue_indirect_dma source(%dma_start3A_313 : memref<10000x128xf32, #tpu.memory_space<hbm>>) target(%arg13 : memref<128x128xf32, #tpu.memory_space<vmem>>) offsets(%arg7 : memref<128xi32, #tpu.memory_space<vmem>>) semaphore(%arg17 : memref<!tpu.dma_semaphore, #tpu.memory_space<semaphore_mem>>)
    }
    %scan3A_82 = arith.constant 25 : i32
    %dma_wait3A_83 = arith.constant 0 : i32
    %dma_wait3A_84 = arith.constant 0 : i32
    %dma_wait3A_85 = tpu.memref_slice %arg2[%dma_wait3A_83, %dma_wait3A_84] : memref<10000x128xf32, #tpu.memory_space<hbm>> -> memref<10000x128xf32, #tpu.memory_space<hbm>>
    tpu.wait_indirect_dma semaphore(%arg17 : memref<!tpu.dma_semaphore, #tpu.memory_space<semaphore_mem>>) src(%dma_wait3A_85 : memref<10000x128xf32, #tpu.memory_space<hbm>>) dst(%arg11 : memref<128x128xf32, #tpu.memory_space<vmem>>)
    %dma_wait3A_86 = arith.constant 0 : i32
    %dma_wait3A_87 = tpu.memref_slice %arg3[%dma_wait3A_86] : memref<640000xi32, #tpu.memory_space<hbm>> -> memref<128xi32, #tpu.memory_space<hbm>>
    %dma_wait3A_88 = arith.constant 0 : i32
    %dma_wait3A_89 = tpu.memref_slice %arg3[%dma_wait3A_88] : memref<640000xi32, #tpu.memory_space<hbm>> -> memref<128xi32, #tpu.memory_space<hbm>>
    tpu.wait_dma2 semaphore(%arg16 : memref<!tpu.dma_semaphore, #tpu.memory_space<semaphore_mem>>) src(%dma_wait3A_89 : memref<128xi32, #tpu.memory_space<hbm>>) dst(%arg8 : memref<128xi32, #tpu.memory_space<vmem>>)
    %dma_start3A_90 = arith.constant 0 : i32
    %dma_start3A_91 = arith.constant 0 : i32
    %dma_start3A_92 = tpu.memref_slice %arg14[%dma_start3A_90, %dma_start3A_91] : memref<10112x128xf32, #tpu.memory_space<vmem_shared>> -> memref<10112x128xf32, #tpu.memory_space<vmem_shared>>
    tpu.enqueue_indirect_dma source(%arg11 : memref<128x128xf32, #tpu.memory_space<vmem>>) target(%dma_start3A_92 : memref<10112x128xf32, #tpu.memory_space<vmem_shared>>) offsets(%arg8 : memref<128xi32, #tpu.memory_space<vmem>>) semaphore(%arg18 : memref<!tpu.dma_semaphore, #tpu.memory_space<semaphore_mem>>) {add = true}
    %dma_wait3A_93 = arith.constant 0 : i32
    %dma_wait3A_94 = arith.constant 0 : i32
    %dma_wait3A_95 = tpu.memref_slice %arg2[%dma_wait3A_93, %dma_wait3A_94] : memref<10000x128xf32, #tpu.memory_space<hbm>> -> memref<10000x128xf32, #tpu.memory_space<hbm>>
    tpu.wait_indirect_dma semaphore(%arg17 : memref<!tpu.dma_semaphore, #tpu.memory_space<semaphore_mem>>) src(%dma_wait3A_95 : memref<10000x128xf32, #tpu.memory_space<hbm>>) dst(%arg12 : memref<128x128xf32, #tpu.memory_space<vmem>>)
    %dma_wait3A_96 = arith.constant 0 : i32
    %dma_wait3A_97 = tpu.memref_slice %arg3[%dma_wait3A_96] : memref<640000xi32, #tpu.memory_space<hbm>> -> memref<128xi32, #tpu.memory_space<hbm>>
    %dma_wait3A_98 = arith.constant 0 : i32
    %dma_wait3A_99 = tpu.memref_slice %arg3[%dma_wait3A_98] : memref<640000xi32, #tpu.memory_space<hbm>> -> memref<128xi32, #tpu.memory_space<hbm>>
    tpu.wait_dma2 semaphore(%arg16 : memref<!tpu.dma_semaphore, #tpu.memory_space<semaphore_mem>>) src(%dma_wait3A_99 : memref<128xi32, #tpu.memory_space<hbm>>) dst(%arg9 : memref<128xi32, #tpu.memory_space<vmem>>)
    %dma_start3A_100 = arith.constant 0 : i32
    %dma_start3A_101 = arith.constant 0 : i32
    %dma_start3A_102 = tpu.memref_slice %arg14[%dma_start3A_100, %dma_start3A_101] : memref<10112x128xf32, #tpu.memory_space<vmem_shared>> -> memref<10112x128xf32, #tpu.memory_space<vmem_shared>>
    tpu.enqueue_indirect_dma source(%arg12 : memref<128x128xf32, #tpu.memory_space<vmem>>) target(%dma_start3A_102 : memref<10112x128xf32, #tpu.memory_space<vmem_shared>>) offsets(%arg9 : memref<128xi32, #tpu.memory_space<vmem>>) semaphore(%arg18 : memref<!tpu.dma_semaphore, #tpu.memory_space<semaphore_mem>>) {add = true}
    %dma_wait3A_103 = arith.constant 0 : i32
    %dma_wait3A_104 = arith.constant 0 : i32
    %dma_wait3A_105 = tpu.memref_slice %arg2[%dma_wait3A_103, %dma_wait3A_104] : memref<10000x128xf32, #tpu.memory_space<hbm>> -> memref<10000x128xf32, #tpu.memory_space<hbm>>
    tpu.wait_indirect_dma semaphore(%arg17 : memref<!tpu.dma_semaphore, #tpu.memory_space<semaphore_mem>>) src(%dma_wait3A_105 : memref<10000x128xf32, #tpu.memory_space<hbm>>) dst(%arg13 : memref<128x128xf32, #tpu.memory_space<vmem>>)
    %dma_wait3A_106 = arith.constant 0 : i32
    %dma_wait3A_107 = tpu.memref_slice %arg3[%dma_wait3A_106] : memref<640000xi32, #tpu.memory_space<hbm>> -> memref<128xi32, #tpu.memory_space<hbm>>
    %dma_wait3A_108 = arith.constant 0 : i32
    %dma_wait3A_109 = tpu.memref_slice %arg3[%dma_wait3A_108] : memref<640000xi32, #tpu.memory_space<hbm>> -> memref<128xi32, #tpu.memory_space<hbm>>
    tpu.wait_dma2 semaphore(%arg16 : memref<!tpu.dma_semaphore, #tpu.memory_space<semaphore_mem>>) src(%dma_wait3A_109 : memref<128xi32, #tpu.memory_space<hbm>>) dst(%arg10 : memref<128xi32, #tpu.memory_space<vmem>>)
    %dma_start3A_110 = arith.constant 0 : i32
    %dma_start3A_111 = arith.constant 0 : i32
    %dma_start3A_112 = tpu.memref_slice %arg14[%dma_start3A_110, %dma_start3A_111] : memref<10112x128xf32, #tpu.memory_space<vmem_shared>> -> memref<10112x128xf32, #tpu.memory_space<vmem_shared>>
    tpu.enqueue_indirect_dma source(%arg13 : memref<128x128xf32, #tpu.memory_space<vmem>>) target(%dma_start3A_112 : memref<10112x128xf32, #tpu.memory_space<vmem_shared>>) offsets(%arg10 : memref<128xi32, #tpu.memory_space<vmem>>) semaphore(%arg18 : memref<!tpu.dma_semaphore, #tpu.memory_space<semaphore_mem>>) {add = true}
    %dma_wait3A_113 = arith.constant 0 : i32
    %dma_wait3A_114 = arith.constant 0 : i32
    %dma_wait3A_115 = tpu.memref_slice %arg14[%dma_wait3A_113, %dma_wait3A_114] : memref<10112x128xf32, #tpu.memory_space<vmem_shared>> -> memref<10112x128xf32, #tpu.memory_space<vmem_shared>>
    tpu.wait_indirect_dma semaphore(%arg18 : memref<!tpu.dma_semaphore, #tpu.memory_space<semaphore_mem>>) src(%arg11 : memref<128x128xf32, #tpu.memory_space<vmem>>) dst(%dma_wait3A_115 : memref<10112x128xf32, #tpu.memory_space<vmem_shared>>)
    %dma_wait3A_116 = arith.constant 0 : i32
    %dma_wait3A_117 = arith.constant 0 : i32
    %dma_wait3A_118 = tpu.memref_slice %arg14[%dma_wait3A_116, %dma_wait3A_117] : memref<10112x128xf32, #tpu.memory_space<vmem_shared>> -> memref<10112x128xf32, #tpu.memory_space<vmem_shared>>
    tpu.wait_indirect_dma semaphore(%arg18 : memref<!tpu.dma_semaphore, #tpu.memory_space<semaphore_mem>>) src(%arg12 : memref<128x128xf32, #tpu.memory_space<vmem>>) dst(%dma_wait3A_118 : memref<10112x128xf32, #tpu.memory_space<vmem_shared>>)
    %dma_wait3A_119 = arith.constant 0 : i32
    %dma_wait3A_120 = arith.constant 0 : i32
    %dma_wait3A_121 = tpu.memref_slice %arg14[%dma_wait3A_119, %dma_wait3A_120] : memref<10112x128xf32, #tpu.memory_space<vmem_shared>> -> memref<10112x128xf32, #tpu.memory_space<vmem_shared>>
    tpu.wait_indirect_dma semaphore(%arg18 : memref<!tpu.dma_semaphore, #tpu.memory_space<semaphore_mem>>) src(%arg13 : memref<128x128xf32, #tpu.memory_space<vmem>>) dst(%dma_wait3A_121 : memref<10112x128xf32, #tpu.memory_space<vmem_shared>>)
    %multiple_of3A_122 = arith.constant 9984 : i32
    %multiple_of3A_123 = tpu.assume_multiple %multiple_of3A_122, 8 : i32
    %add3A_124 = arith.addi %multiple_of3A_21, %multiple_of3A_123 : i32
    %dma_start3A_125 = arith.constant 0 : i32
    %dma_start3A_126 = tpu.memref_slice %arg5[%dma_start3A_125] : memref<128xi32, #tpu.memory_space<vmem>> -> memref<16xi32, #tpu.memory_space<vmem>>
    %dma_start3A_127 = tpu.memref_slice %arg3[%add3A_124] : memref<640000xi32, #tpu.memory_space<hbm>> -> memref<16xi32, #tpu.memory_space<hbm>>
    %dma_start3A_128 = arith.constant 0 : i32
    %dma_start3A_129 = tpu.memref_slice %arg5[%dma_start3A_128] : memref<128xi32, #tpu.memory_space<vmem>> -> memref<16xi32, #tpu.memory_space<vmem>>
    %dma_start3A_130 = tpu.memref_slice %arg3[%add3A_124] : memref<640000xi32, #tpu.memory_space<hbm>> -> memref<16xi32, #tpu.memory_space<hbm>>
    tpu.enqueue_dma source(%dma_start3A_130 : memref<16xi32, #tpu.memory_space<hbm>>) target(%dma_start3A_129 : memref<16xi32, #tpu.memory_space<vmem>>) target_semaphore(%arg15 : memref<!tpu.dma_semaphore, #tpu.memory_space<semaphore_mem>>)
    %add3A_131 = arith.constant 320000 : i32
    %add3A_132 = arith.addi %add3A_131, %multiple_of3A_21 : i32
    %add3A_133 = arith.addi %add3A_132, %multiple_of3A_123 : i32
    %dma_start3A_134 = arith.constant 0 : i32
    %dma_start3A_135 = tpu.memref_slice %arg8[%dma_start3A_134] : memref<128xi32, #tpu.memory_space<vmem>> -> memref<16xi32, #tpu.memory_space<vmem>>
    %dma_start3A_136 = tpu.memref_slice %arg3[%add3A_133] : memref<640000xi32, #tpu.memory_space<hbm>> -> memref<16xi32, #tpu.memory_space<hbm>>
    %dma_start3A_137 = arith.constant 0 : i32
    %dma_start3A_138 = tpu.memref_slice %arg8[%dma_start3A_137] : memref<128xi32, #tpu.memory_space<vmem>> -> memref<16xi32, #tpu.memory_space<vmem>>
    %dma_start3A_139 = tpu.memref_slice %arg3[%add3A_133] : memref<640000xi32, #tpu.memory_space<hbm>> -> memref<16xi32, #tpu.memory_space<hbm>>
    tpu.enqueue_dma source(%dma_start3A_139 : memref<16xi32, #tpu.memory_space<hbm>>) target(%dma_start3A_138 : memref<16xi32, #tpu.memory_space<vmem>>) target_semaphore(%arg15 : memref<!tpu.dma_semaphore, #tpu.memory_space<semaphore_mem>>)
    %dma_wait3A_140 = arith.constant 0 : i32
    %dma_wait3A_141 = tpu.memref_slice %arg5[%dma_wait3A_140] : memref<128xi32, #tpu.memory_space<vmem>> -> memref<16xi32, #tpu.memory_space<vmem>>
    %dma_wait3A_142 = arith.constant 0 : i32
    %dma_wait3A_143 = tpu.memref_slice %arg3[%dma_wait3A_142] : memref<640000xi32, #tpu.memory_space<hbm>> -> memref<16xi32, #tpu.memory_space<hbm>>
    %dma_wait3A_144 = arith.constant 0 : i32
    %dma_wait3A_145 = tpu.memref_slice %arg5[%dma_wait3A_144] : memref<128xi32, #tpu.memory_space<vmem>> -> memref<16xi32, #tpu.memory_space<vmem>>
    %dma_wait3A_146 = arith.constant 0 : i32
    %dma_wait3A_147 = tpu.memref_slice %arg3[%dma_wait3A_146] : memref<640000xi32, #tpu.memory_space<hbm>> -> memref<16xi32, #tpu.memory_space<hbm>>
    tpu.wait_dma2 semaphore(%arg15 : memref<!tpu.dma_semaphore, #tpu.memory_space<semaphore_mem>>) src(%dma_wait3A_147 : memref<16xi32, #tpu.memory_space<hbm>>) dst(%dma_wait3A_145 : memref<16xi32, #tpu.memory_space<vmem>>)
    %dma_wait3A_148 = arith.constant 0 : i32
    %dma_wait3A_149 = tpu.memref_slice %arg8[%dma_wait3A_148] : memref<128xi32, #tpu.memory_space<vmem>> -> memref<16xi32, #tpu.memory_space<vmem>>
    %dma_wait3A_150 = arith.constant 0 : i32
    %dma_wait3A_151 = tpu.memref_slice %arg3[%dma_wait3A_150] : memref<640000xi32, #tpu.memory_space<hbm>> -> memref<16xi32, #tpu.memory_space<hbm>>
    %dma_wait3A_152 = arith.constant 0 : i32
    %dma_wait3A_153 = tpu.memref_slice %arg8[%dma_wait3A_152] : memref<128xi32, #tpu.memory_space<vmem>> -> memref<16xi32, #tpu.memory_space<vmem>>
    %dma_wait3A_154 = arith.constant 0 : i32
    %dma_wait3A_155 = tpu.memref_slice %arg3[%dma_wait3A_154] : memref<640000xi32, #tpu.memory_space<hbm>> -> memref<16xi32, #tpu.memory_space<hbm>>
    tpu.wait_dma2 semaphore(%arg15 : memref<!tpu.dma_semaphore, #tpu.memory_space<semaphore_mem>>) src(%dma_wait3A_155 : memref<16xi32, #tpu.memory_space<hbm>>) dst(%dma_wait3A_153 : memref<16xi32, #tpu.memory_space<vmem>>)
    %dma_start3A_156 = arith.constant 0 : i32
    %dma_start3A_157 = arith.constant 0 : i32
    %dma_start3A_158 = tpu.memref_slice %arg11[%dma_start3A_156, %dma_start3A_157] : memref<128x128xf32, #tpu.memory_space<vmem>> -> memref<16x128xf32, #tpu.memory_space<vmem>>
    %dma_start3A_159 = arith.constant 0 : i32
    %dma_start3A_160 = tpu.memref_slice %arg5[%dma_start3A_159] : memref<128xi32, #tpu.memory_space<vmem>> -> memref<16xi32, #tpu.memory_space<vmem>>
    %dma_start3A_161 = arith.constant 0 : i32
    %dma_start3A_162 = arith.constant 0 : i32
    %dma_start3A_163 = tpu.memref_slice %arg2[%dma_start3A_161, %dma_start3A_162] : memref<10000x128xf32, #tpu.memory_space<hbm>> -> memref<10000x128xf32, #tpu.memory_space<hbm>>
    tpu.enqueue_indirect_dma source(%dma_start3A_163 : memref<10000x128xf32, #tpu.memory_space<hbm>>) target(%dma_start3A_158 : memref<16x128xf32, #tpu.memory_space<vmem>>) offsets(%dma_start3A_160 : memref<16xi32, #tpu.memory_space<vmem>>) semaphore(%arg17 : memref<!tpu.dma_semaphore, #tpu.memory_space<semaphore_mem>>)
    %dma_wait3A_164 = arith.constant 0 : i32
    %dma_wait3A_165 = arith.constant 0 : i32
    %dma_wait3A_166 = tpu.memref_slice %arg11[%dma_wait3A_164, %dma_wait3A_165] : memref<128x128xf32, #tpu.memory_space<vmem>> -> memref<16x128xf32, #tpu.memory_space<vmem>>
    %dma_wait3A_167 = arith.constant 0 : i32
    %dma_wait3A_168 = tpu.memref_slice %arg5[%dma_wait3A_167] : memref<128xi32, #tpu.memory_space<vmem>> -> memref<16xi32, #tpu.memory_space<vmem>>
    %dma_wait3A_169 = arith.constant 0 : i32
    %dma_wait3A_170 = arith.constant 0 : i32
    %dma_wait3A_171 = tpu.memref_slice %arg2[%dma_wait3A_169, %dma_wait3A_170] : memref<10000x128xf32, #tpu.memory_space<hbm>> -> memref<10000x128xf32, #tpu.memory_space<hbm>>
    tpu.wait_indirect_dma semaphore(%arg17 : memref<!tpu.dma_semaphore, #tpu.memory_space<semaphore_mem>>) src(%dma_wait3A_171 : memref<10000x128xf32, #tpu.memory_space<hbm>>) dst(%dma_wait3A_166 : memref<16x128xf32, #tpu.memory_space<vmem>>)
    "tpu.region"() ({
      %run_scoped3A = tpu.sem_alloc : memref<!tpu.dma_semaphore, #tpu.memory_space<semaphore_mem>>
      %dma_start3A_173 = arith.constant 0 : i32
      %dma_start3A_174 = arith.constant 0 : i32
      %dma_start3A_175 = tpu.memref_slice %arg11[%dma_start3A_173, %dma_start3A_174] : memref<128x128xf32, #tpu.memory_space<vmem>> -> memref<16x128xf32, #tpu.memory_space<vmem>>
      %dma_start3A_176 = arith.constant 0 : i32
      %dma_start3A_177 = tpu.memref_slice %arg8[%dma_start3A_176] : memref<128xi32, #tpu.memory_space<vmem>> -> memref<16xi32, #tpu.memory_space<vmem>>
      %dma_start3A_178 = arith.constant 0 : i32
      %dma_start3A_179 = arith.constant 0 : i32
      %dma_start3A_180 = tpu.memref_slice %arg14[%dma_start3A_178, %dma_start3A_179] : memref<10112x128xf32, #tpu.memory_space<vmem_shared>> -> memref<10112x128xf32, #tpu.memory_space<vmem_shared>>
      tpu.enqueue_indirect_dma source(%dma_start3A_175 : memref<16x128xf32, #tpu.memory_space<vmem>>) target(%dma_start3A_180 : memref<10112x128xf32, #tpu.memory_space<vmem_shared>>) offsets(%dma_start3A_177 : memref<16xi32, #tpu.memory_space<vmem>>) semaphore(%run_scoped3A : memref<!tpu.dma_semaphore, #tpu.memory_space<semaphore_mem>>) {add = true}
      %dma_wait3A_181 = arith.constant 0 : i32
      %dma_wait3A_182 = arith.constant 0 : i32
      %dma_wait3A_183 = tpu.memref_slice %arg11[%dma_wait3A_181, %dma_wait3A_182] : memref<128x128xf32, #tpu.memory_space<vmem>> -> memref<16x128xf32, #tpu.memory_space<vmem>>
      %dma_wait3A_184 = arith.constant 0 : i32
      %dma_wait3A_185 = tpu.memref_slice %arg8[%dma_wait3A_184] : memref<128xi32, #tpu.memory_space<vmem>> -> memref<16xi32, #tpu.memory_space<vmem>>
      %dma_wait3A_186 = arith.constant 0 : i32
      %dma_wait3A_187 = arith.constant 0 : i32
      %dma_wait3A_188 = tpu.memref_slice %arg14[%dma_wait3A_186, %dma_wait3A_187] : memref<10112x128xf32, #tpu.memory_space<vmem_shared>> -> memref<10112x128xf32, #tpu.memory_space<vmem_shared>>
      tpu.wait_indirect_dma semaphore(%run_scoped3A : memref<!tpu.dma_semaphore, #tpu.memory_space<semaphore_mem>>) src(%dma_wait3A_183 : memref<16x128xf32, #tpu.memory_space<vmem>>) dst(%dma_wait3A_188 : memref<10112x128xf32, #tpu.memory_space<vmem_shared>>)
      tpu.yield
    }) : () -> ()
    %barrier3A_172 = arith.constant 0 : index
    tpu.barrier barrier_id(%barrier3A_172)
    "tpu.region"() ({
      %run_scoped3A = tpu.sem_alloc : memref<!tpu.dma_semaphore, #tpu.memory_space<semaphore_mem>>
      %dma_start3A_173 = arith.constant 0 : i32
      %dma_start3A_174 = arith.constant 0 : i32
      %dma_start3A_175 = tpu.memref_slice %arg4[%arg0, %dma_start3A_173, %dma_start3A_174] : memref<2x10112x128xf32, #tpu.memory_space<hbm>> -> memref<1x10112x128xf32, #tpu.memory_space<hbm>>
      %dma_start3A_176 = tpu.memref_squeeze %dma_start3A_175 : memref<1x10112x128xf32, #tpu.memory_space<hbm>> -> memref<10112x128xf32, #tpu.memory_space<hbm>>
      %dma_start3A_177 = arith.constant 0 : i32
      %dma_start3A_178 = tpu.memref_slice %dma_start3A_176[%multiple_of3A, %dma_start3A_177] : memref<10112x128xf32, #tpu.memory_space<hbm>> -> memref<632x128xf32, #tpu.memory_space<hbm>>
      %dma_start3A_179 = arith.constant 0 : i32
      %dma_start3A_180 = tpu.memref_slice %arg14[%multiple_of3A, %dma_start3A_179] : memref<10112x128xf32, #tpu.memory_space<vmem_shared>> -> memref<632x128xf32, #tpu.memory_space<vmem_shared>>
      tpu.enqueue_dma source(%dma_start3A_180 : memref<632x128xf32, #tpu.memory_space<vmem_shared>>) target(%dma_start3A_178 : memref<632x128xf32, #tpu.memory_space<hbm>>) target_semaphore(%run_scoped3A : memref<!tpu.dma_semaphore, #tpu.memory_space<semaphore_mem>>)
      %dma_wait3A_181 = arith.constant 0 : i32
      %dma_wait3A_182 = arith.constant 0 : i32
      %dma_wait3A_183 = tpu.memref_slice %arg4[%arg0, %dma_wait3A_181, %dma_wait3A_182] : memref<2x10112x128xf32, #tpu.memory_space<hbm>> -> memref<1x10112x128xf32, #tpu.memory_space<hbm>>
      %dma_wait3A_184 = tpu.memref_squeeze %dma_wait3A_183 : memref<1x10112x128xf32, #tpu.memory_space<hbm>> -> memref<10112x128xf32, #tpu.memory_space<hbm>>
      %dma_wait3A_185 = arith.constant 0 : i32
      %dma_wait3A_186 = tpu.memref_slice %dma_wait3A_184[%multiple_of3A, %dma_wait3A_185] : memref<10112x128xf32, #tpu.memory_space<hbm>> -> memref<632x128xf32, #tpu.memory_space<hbm>>
      %dma_wait3A_187 = arith.constant 0 : i32
      %dma_wait3A_188 = tpu.memref_slice %arg14[%multiple_of3A, %dma_wait3A_187] : memref<10112x128xf32, #tpu.memory_space<vmem_shared>> -> memref<632x128xf32, #tpu.memory_space<vmem_shared>>
      tpu.wait_dma2 semaphore(%run_scoped3A : memref<!tpu.dma_semaphore, #tpu.memory_space<semaphore_mem>>) src(%dma_wait3A_188 : memref<632x128xf32, #tpu.memory_space<vmem_shared>>) dst(%dma_wait3A_186 : memref<632x128xf32, #tpu.memory_space<hbm>>)
      tpu.yield
    }) : () -> ()
    return
  }
}

module attributes {stable_mosaic.version = 14 : i64} {
  func.func @_tc_root(%arg0: i32, %arg1: memref<1000x128xf32, #tpu.memory_space<vmem>>, %arg2: memref<128x128xf32, #tpu.memory_space<vmem>>, %arg3: memref<1x128xf32, #tpu.memory_space<vmem>>, %arg4: memref<1000x128xf32, #tpu.memory_space<vmem>>) attributes {dimension_semantics = [#tpu.dimension_semantics<arbitrary>], iteration_bounds = array<i64: 10>, scalar_prefetch = 0 : i64, scratch_operands = 0 : i64, tpu.core_type = #tpu.core_type<tc>, window_params = [{transform_indices = @transform_0, window_bounds = array<i64: 1000, 128>}, {pipeline_mode = #tpu.pipeline_mode<synchronous>, transform_indices = @transform_1, window_bounds = array<i64: 128, 128>}, {pipeline_mode = #tpu.pipeline_mode<synchronous>, transform_indices = @transform_2, window_bounds = array<i64: 1, 128>}, {transform_indices = @transform_3, window_bounds = array<i64: 1000, 128>}]} {
    %get3A = arith.constant 0 : index
    %get3A_0 = arith.constant 0 : index
    %get3A_1 = vector.load %arg1[%get3A, %get3A_0] : memref<1000x128xf32, #tpu.memory_space<vmem>>, vector<1000x128xf32>
    %get3A_2 = arith.constant 0 : index
    %get3A_3 = arith.constant 0 : index
    %get3A_4 = vector.load %arg2[%get3A_2, %get3A_3] : memref<128x128xf32, #tpu.memory_space<vmem>>, vector<128x128xf32>
    %dot_general3A = arith.constant dense<0.000000e+00> : vector<1000x128xf32>
    %dot_general3A_5 = tpu.matmul %get3A_1, %get3A_4, %dot_general3A {dimension_numbers = #tpu.dot_dimension_numbers<[1], [1], [0], [0], [0, 0, 1, 0], [], []>, transpose_lhs_hint = false} : vector<1000x128xf32>, vector<128x128xf32>, vector<1000x128xf32> -> vector<1000x128xf32>
    %get3A_6 = arith.constant 0 : index
    %get3A_7 = arith.constant 0 : index
    %get3A_8 = vector.load %arg3[%get3A_6, %get3A_7] : memref<1x128xf32, #tpu.memory_space<vmem>>, vector<1x128xf32>
    %add3A = vector.broadcast %get3A_8 : vector<1x128xf32> to vector<1000x128xf32>
    %add3A_9 = arith.addf %dot_general3A_5, %add3A : vector<1000x128xf32>
    %swap3A = arith.constant 0 : index
    %swap3A_10 = arith.constant 0 : index
    %swap3A_11 = vector.load %arg4[%swap3A, %swap3A_10] : memref<1000x128xf32, #tpu.memory_space<vmem>>, vector<1000x128xf32>
    tpu.vector_store %arg4[%swap3A, %swap3A_10], %add3A_9 {strides = array<i32>} : memref<1000x128xf32, #tpu.memory_space<vmem>>, vector<1000x128xf32>,
    return
  }
  func.func @transform_0(%arg0: i32) -> (i32, i32) {
    %c0_i32 = arith.constant 0 : i32
    %c0_i32_0 = arith.constant 0 : i32
    return %arg0, %c0_i32 : i32, i32
  }
  func.func @transform_1(%arg0: i32) -> (i32, i32) {
    %c0_i32 = arith.constant 0 : i32
    %c0_i32_0 = arith.constant 0 : i32
    %c0_i32_1 = arith.constant 0 : i32
    return %c0_i32, %c0_i32_0 : i32, i32
  }
  func.func @transform_2(%arg0: i32) -> (i32, i32) {
    %c0_i32 = arith.constant 0 : i32
    %c0_i32_0 = arith.constant 0 : i32
    %c0_i32_1 = arith.constant 0 : i32
    return %c0_i32, %c0_i32_0 : i32, i32
  }
  func.func @transform_3(%arg0: i32) -> (i32, i32) {
    %c0_i32 = arith.constant 0 : i32
    %c0_i32_0 = arith.constant 0 : i32
    return %arg0, %c0_i32 : i32, i32
  }
}

module attributes {stable_mosaic.version = 14 : i64} {
  func.func @_tc_fin(%arg0: i32, %arg1: memref<2x1000x128xf32, #tpu.memory_space<vmem>>, %arg2: memref<1000x128xf32, #tpu.memory_space<vmem>>, %arg3: memref<128x128xf32, #tpu.memory_space<vmem>>, %arg4: memref<1000x128xf32, #tpu.memory_space<vmem>>) attributes {dimension_semantics = [#tpu.dimension_semantics<arbitrary>], iteration_bounds = array<i64: 10>, scalar_prefetch = 0 : i64, scratch_operands = 0 : i64, tpu.core_type = #tpu.core_type<tc>, window_params = [{transform_indices = @transform_0, window_bounds = array<i64: 2, 1000, 128>}, {transform_indices = @transform_1, window_bounds = array<i64: 1000, 128>}, {pipeline_mode = #tpu.pipeline_mode<synchronous>, transform_indices = @transform_2, window_bounds = array<i64: 128, 128>}, {transform_indices = @transform_3, window_bounds = array<i64: 1000, 128>}]} {
    %get3A = arith.constant 0 : index
    %get3A_0 = arith.constant 0 : index
    %get3A_1 = arith.constant 0 : index
    %get3A_2 = vector.load %arg1[%get3A, %get3A_0, %get3A_1] : memref<2x1000x128xf32, #tpu.memory_space<vmem>>, vector<1x1000x128xf32>
    %get3A_3 = vector.shape_cast %get3A_2 : vector<1x1000x128xf32> to vector<1000x128xf32>
    %get3A_4 = arith.constant 1 : index
    %get3A_5 = arith.constant 0 : index
    %get3A_6 = arith.constant 0 : index
    %get3A_7 = vector.load %arg1[%get3A_4, %get3A_5, %get3A_6] : memref<2x1000x128xf32, #tpu.memory_space<vmem>>, vector<1x1000x128xf32>
    %get3A_8 = vector.shape_cast %get3A_7 : vector<1x1000x128xf32> to vector<1000x128xf32>
    %add3A = arith.addf %get3A_3, %get3A_8 : vector<1000x128xf32>
    %get3A_9 = arith.constant 0 : index
    %get3A_10 = arith.constant 0 : index
    %get3A_11 = vector.load %arg3[%get3A_9, %get3A_10] : memref<128x128xf32, #tpu.memory_space<vmem>>, vector<128x128xf32>
    %dot_general3A = arith.constant dense<0.000000e+00> : vector<1000x128xf32>
    %dot_general3A_12 = tpu.matmul %add3A, %get3A_11, %dot_general3A {dimension_numbers = #tpu.dot_dimension_numbers<[1], [1], [0], [0], [0, 0, 1, 0], [], []>, transpose_lhs_hint = false} : vector<1000x128xf32>, vector<128x128xf32>, vector<1000x128xf32> -> vector<1000x128xf32>
    %get3A_13 = arith.constant 0 : index
    %get3A_14 = arith.constant 0 : index
    %get3A_15 = vector.load %arg2[%get3A_13, %get3A_14] : memref<1000x128xf32, #tpu.memory_space<vmem>>, vector<1000x128xf32>
    %add3A_16 = arith.addf %dot_general3A_12, %get3A_15 : vector<1000x128xf32>
    %tanh3A = math.tanh %add3A_16 : vector<1000x128xf32>
    %swap3A = arith.constant 0 : index
    %swap3A_17 = arith.constant 0 : index
    %swap3A_18 = vector.load %arg4[%swap3A, %swap3A_17] : memref<1000x128xf32, #tpu.memory_space<vmem>>, vector<1000x128xf32>
    tpu.vector_store %arg4[%swap3A, %swap3A_17], %tanh3A {strides = array<i32>} : memref<1000x128xf32, #tpu.memory_space<vmem>>, vector<1000x128xf32>,
    return
  }
  func.func @transform_0(%arg0: i32) -> (i32, i32, i32) {
    %c0_i32 = arith.constant 0 : i32
    %c0_i32_0 = arith.constant 0 : i32
    %c0_i32_1 = arith.constant 0 : i32
    return %c0_i32, %arg0, %c0_i32_0 : i32, i32, i32
  }
  func.func @transform_1(%arg0: i32) -> (i32, i32) {
    %c0_i32 = arith.constant 0 : i32
    %c0_i32_0 = arith.constant 0 : i32
    return %arg0, %c0_i32 : i32, i32
  }
  func.func @transform_2(%arg0: i32) -> (i32, i32) {
    %c0_i32 = arith.constant 0 : i32
    %c0_i32_0 = arith.constant 0 : i32
    %c0_i32_1 = arith.constant 0 : i32
    return %c0_i32, %c0_i32_0 : i32, i32
  }
  func.func @transform_3(%arg0: i32) -> (i32, i32) {
    %c0_i32 = arith.constant 0 : i32
    %c0_i32_0 = arith.constant 0 : i32
    return %arg0, %c0_i32 : i32, i32
  }
}

</mosaic_0001>

<sc_bundles>
// kernel: kernel.5.cloned.1.call-start
scs
__scs_entry_jumppad:
0x0: {  	(pc) =	sbr.rel $0x88, $3  }
0x1: {  	(tag) =	ssettag $0x0;
	lr =	simm.s32 $0x1  }
0x2: {  	[smem:$0x3F9C] =	sst lr;
	_ =	strace $0xD0000000  }
0x3: {  	_ = 	snop  }
0x4: {  	_ = 	snop  }
0x5: {  	_ = 	snop  }
0x6: {  	_ = 	snop  }
0x7: {  	_ = 	snop  }
__scs_overlays_trampoline_lowered:
0x8: {  	[smem:$0x3FAB] =	sst s0  }
0x9: {  	[smem:$0x3FAC] =	sst s1  }
0xa: {  	[smem:$0x3FAD] =	sst s2  }
0xb: {  	[smem:$0x3FAE] =	sst s3  }
0xc: {  	[smem:$0x3FAF] =	sst s4  }
0xd: {  	[smem:$0x3FB0] =	sst s5  }
0xe: {  	[smem:$0x3FB1] =	sst s6  }
0xf: {  	[smem:$0x3FB2] =	sst s7  }
0x10: {  	[smem:$0x3FB3] =	sst s8  }
0x11: {  	[smem:$0x3FB4] =	sst s9;
	s0 =	simm.s32 @!p0 $0x0  }
0x12: {  	s1 =	sld [smem:$0x3F9A];
	s0 =	simm.s32 @p0 $0x1  }
0x13: {  	[smem:$0x3FB5] =	sst s0;
	s0 =	simm.s32 @!p1 $0x0  }
0x14: {  	s2 =	sld [smem:$0x3F99];
	s0 =	simm.s32 @p1 $0x1  }
0x15: {  	[smem:$0x3FB6] =	sst s0;
	s0 =	simm.s32 @!p2 $0x0  }
0x16: {  	s3 =	sld [smem:$0x3FDB];
	s0 =	simm.s32 @p2 $0x1  }
0x17: {  	s4 =	simm.s32 $0x1BF5;
	[smem:$0x3FB8] =	sst s0  }
0x18: {  	s0 =	sld [smem:$0x3F9B];
	_ =	swait.ge [sflag:s4], $0x0  }
0x19: {  	s7 =	sld [smem:$0x3F9C]  }
0x1a: {  	s8 =	sadd.s32 $0xFFFFE003, lr  }
0x1b: {  	s9 =	sadd.s32 $0xFFFFFEF7, lr;
	s5 =	simm.s32 $0xFFFFFFFF;
	p2 =	slt.u32 s8, $0xFFFFF086  }
0x1c: {  	p1 =	slt.u32 s9, $0xF7A;
	s5 =	simm.s32 @!p2 $0x0  }
0x1d: {  	s5 =	simm.s32 @p1 $0x1;
	p0 =	seq.s32 s7, s2  }
0x1e: {  	s7 =	smul.u32 @!p0 $0xF7A, s2;
	p2 =	seq.s32 @!p0 s5, $0x0  }
0x1f: {  	s9 =	smul.u32 $0xF7A, s1;
	s8 =	simm.s32 @!p0 $0x1BF5;
	p2 =	por !p2, p0  }
0x20: {  	[sflag:s8] =	ssyncset.s32 @!p0 $0xFFFFF086;
	s6 =	sadd.s32 @!p0 s3, s7;
	s7 =	simm.s32 @!p0 $0x108  }
0x21: {  	s3 =	sadd.s32 s3, s9;
	s6 =	sadd.s32 @!p0 $0x88, s6;
	s7 =	simm.s32 @p2 $0x1082  }
0x22: {  	[simem:s7], [sflag:s8] =	dma.local @!p0 [hbm:s6], $0xF7A  }
0x23: {  	s9 =	sor.u32 $0xD0000000, s2;
	s6 =	simm.s32 $0x108;
	_ =	swait.ge @!p0 [sflag:s8], $0x0  }
0x24: {  	s3 =	sadd.s32 $0x88, s3;
	s6 =	simm.s32 @!p1 $0x1082;
	[sflag:s4] =	ssyncset.s32 $0xFFFFF086  }
0x25: {  	[simem:s6], [sflag:s4] =	dma.local [hbm:s3], $0xF7A  }
0x26: {  	[smem:$0x3F9C] =	sst s1;
	(tag) =	ssettag s2;
	_ =	strace s9  }
0x27: {  	s1 =	sld [smem:$0x3FAC]  }
0x28: {  	s2 =	sld [smem:$0x3FAD]  }
0x29: {  	s4 =	sld [smem:$0x3FAF]  }
0x2a: {  	p0 =	seq.s32 s5, $0x0;
	s5 =	sld [smem:$0x3FB0]  }
0x2b: {  	s6 =	sld [smem:$0x3FB1]  }
0x2c: {  	s7 =	sld [smem:$0x3FB2]  }
0x2d: {  	s3 =	simm.s32 $0x108;
	s8 =	sld [smem:$0x3FB3]  }
0x2e: {  	s3 =	simm.s32 @!p0 $0x1082;
	s9 =	sld [smem:$0x3FB4]  }
0x2f: {  	lr =	sadd.s32 s0, s3;
	s0 =	sld [smem:$0x3FAB]  }
0x30: {  	s3 =	sld [smem:$0x3FAE]  }
0x31: {  	[smem:$0x3FB7] =	sst s10  }
0x32: {  	s10 =	sld [smem:$0x3FB5];
	_ =	sdelay $0x3  }
0x33: {  	p0 =	seq.s32 s10, $0x1;
	s10 =	sld [smem:$0x3FB7];
	_ =	sdelay $0x3  }
0x34: {  	[smem:$0x3FB7] =	sst s10  }
0x35: {  	s10 =	sld [smem:$0x3FB6];
	_ =	sdelay $0x3  }
0x36: {  	p1 =	seq.s32 s10, $0x1;
	s10 =	sld [smem:$0x3FB7];
	_ =	sdelay $0x3  }
0x37: {  	[smem:$0x3FB7] =	sst s10  }
0x38: {  	s10 =	sld [smem:$0x3FB8]  }
0x39: {  	_ = 	snop;
	(pc) =	sbr.ind lr, $3  }
0x3a: {  	_ = 	snop  }
0x3b: {  	_ = 	snop  }
0x3c: {  	p2 =	seq.s32 s10, $0x1;
	s10 =	sld [smem:$0x3FB7]  }
0x3d: {  	_ =	shalt  }
0x3e: {  	_ =	shalt  }
0x3f: {  	_ =	shalt  }
0x40: {  	_ =	shalt  }
0x41: {  	_ =	shalt  }
0x42: {  	_ =	shalt  }
0x43: {  	_ =	shalt  }
0x44: {  	_ =	shalt  }
0x45: {  	_ =	shalt  }
0x46: {  	_ =	shalt  }
0x47: {  	_ =	shalt  }
0x48: {  	_ =	shalt  }
0x49: {  	_ =	shalt  }
0x4a: {  	_ =	shalt  }
0x4b: {  	_ =	shalt  }
0x4c: {  	_ =	shalt  }
0x4d: {  	_ =	shalt  }
0x4e: {  	_ =	shalt  }
0x4f: {  	_ =	shalt  }
0x50: {  	_ =	shalt  }
0x51: {  	_ =	shalt  }
0x52: {  	_ =	shalt  }
0x53: {  	_ =	shalt  }
0x54: {  	_ =	shalt  }
0x55: {  	_ =	shalt  }
0x56: {  	_ =	shalt  }
0x57: {  	_ =	shalt  }
0x58: {  	_ =	shalt  }
0x59: {  	_ =	shalt  }
0x5a: {  	_ =	shalt  }
0x5b: {  	_ =	shalt  }
0x5c: {  	_ =	shalt  }
0x5d: {  	_ =	shalt  }
0x5e: {  	_ =	shalt  }
0x5f: {  	_ =	shalt  }
0x60: {  	_ =	shalt  }
0x61: {  	_ =	shalt  }
0x62: {  	_ =	shalt  }
0x63: {  	_ =	shalt  }
0x64: {  	_ =	shalt  }
0x65: {  	_ =	shalt  }
0x66: {  	_ =	shalt  }
0x67: {  	_ =	shalt  }
0x68: {  	_ =	shalt  }
0x69: {  	_ =	shalt  }
0x6a: {  	_ =	shalt  }
0x6b: {  	_ =	shalt  }
0x6c: {  	_ =	shalt  }
0x6d: {  	_ =	shalt  }
0x6e: {  	_ =	shalt  }
0x6f: {  	_ =	shalt  }
0x70: {  	_ =	shalt  }
0x71: {  	_ =	shalt  }
0x72: {  	_ =	shalt  }
0x73: {  	_ =	shalt  }
0x74: {  	_ =	shalt  }
0x75: {  	_ =	shalt  }
0x76: {  	_ =	shalt  }
0x77: {  	_ =	shalt  }
0x78: {  	_ =	shalt  }
0x79: {  	_ =	shalt  }
0x7a: {  	_ =	shalt  }
0x7b: {  	_ =	shalt  }
0x7c: {  	_ =	shalt  }
0x7d: {  	_ =	shalt  }
0x7e: {  	_ =	shalt  }
0x7f: {  	_ =	shalt  }
0x80: {  	_ =	shalt  }
0x81: {  	_ =	shalt  }
0x82: {  	_ =	shalt  }
0x83: {  	_ =	shalt  }
0x84: {  	_ =	shalt  }
0x85: {  	_ =	shalt  }
0x86: {  	_ =	shalt  }
0x87: {  	_ =	shalt  }
.Lfunc_end0:
.L_simem_size_0:
called_computation_lowered:
.L_overlay_start_0:
0x88: {  	s2 =	sld [smem:$0x3FD9]  }
0x89: {  	s3 =	sld [smem:$0x3FFE];
	_ =	sdelay $0x1  }
0x8a: {  	s1 =	srdreg.scid  }
0x8b: {  	s0 =	sand.u32 $0x1, s1  }
0x8c: {  	s17 =	sshll.u32 s0, $0xA;
	s2 =	sadd.s32 s3, s2  }
0x8d: {  	s2 =	sadd.s32 s2, s17  }
0x8e: {  	[smem:$0x3FC3] =	sst s2  }
0x8f: {  	_ = 	snop  }
0x90: {  	s2 =	sld [smem:$0x3FC9]  }
0x91: {  	s18 =	sld [smem:$0x3FD0];
	(tm) =	ssettm $0x1  }
0x92: {  	s4 =	sld [smem:$0x3FFB];
	_ =	sdelay $0x3  }
0x93: {  	_ =	strace s4  }
0x94: {  	s4 =	sld [smem:$0x3FFC];
	_ =	sdelay $0x3  }
0x95: {  	_ =	strace s4  }
0x96: {  	s4 =	sld [smem:$0x3FFD];
	_ =	sdelay $0x3  }
0x97: {  	_ =	strace s4  }
0x98: {  	_ =	strace $0x8FFFFFFF  }
0x99: {  	s19 =	sld [smem:$0x3FDB];
	_ =	sdelay $0x1  }
0x9a: {  	s5 =	simm.s32 $_scs_section_size  }
0x9b: {  	s6 =	simm.s32 $_size__tile_overlayer_lowered;
	s7 =	simm.s32 $_tile_overlayer_lowered  }
0x9c: {  	s22 =	simm.s32 $0x1BFF;
	s21 =	sshll.u32 s7, $0x1;
	s4 =	sadd.s32 s5, s19  }
0x9d: {  	s8 =	simm.s32 $0x0;
	s20 =	sshll.u32 s6, $0x1;
	s6 =	sadd.s32 s21, s4  }
0x9e: {  	[timem:s8], [sflag:s22] =	dma.local [hbm:s6], s20  }
0x9f: {  	_ =	swait.ge [sflag:s22], s20  }
0xa0: {  	s5 =	ssub.s32 $0x0, s20;
	[sflag:s22] =	ssyncset.done $0x0  }
0xa1: {  	[sflag:s22] =	ssyncadd.s32 s5;
	_ =	sdelay $0x1  }
0xa2: {  	s23 =	simm.s32 $0x1B8B  }
0xa3: {  	_ =	swait.ge [sflag:s23], $0x1  }
0xa4: {  	[sflag:s23] =	ssyncset.done $0x0  }
0xa5: {  	s25 =	simm.s32 $0x1B8E;
	s24 =	sld [smem:$0x3FFE];
	[sflag:s23] =	ssyncadd.s32 $0xFFFFFFFF  }
0xa6: {  	s26 =	simm.s32 $execute0_lowered;
	[smem:$0x3FD2] =	sst s25  }
0xa7: {  	s6 =	sshll.u32 s26, $0x1;
	_ =	strace $0x80000046;
	[dreg:$0x1] =	wrdreg $0xFFFFFFFF  }
0xa8: {  	s28 =	simm.s32 $_size_execute0_lowered;
	s4 =	sadd.s32 s4, s6;
	[dreg:$0x0] =	wrdreg $0x0  }
0xa9: {  	s6 =	sshll.u32 s28, $0x1;
	[dreg:$0x2] =	wrdreg s4  }
0xaa: {  	[dreg:$0x3] =	wrdreg s6  }
0xab: {  	[dreg:$0x4] =	wrdreg $0xC0  }
0xac: {  	_ =	task [dreg:s8], $0x5FFFF  }
0xad: {  	[dreg:$0x1] =	wrdreg $0xFFFFFFFF  }
0xae: {  	[dreg:$0x0] =	wrdreg $0x60  }
0xaf: {  	[dreg:$0x2] =	wrdreg s2  }
0xb0: {  	[dreg:$0x3] =	wrdreg s18  }
0xb1: {  	[dreg:$0x4] =	wrdreg s24  }
0xb2: {  	[dreg:$0x5] =	wrdreg $0xC3000  }
0xb3: {  	[dreg:$0x6] =	wrdreg $0x9  }
0xb4: {  	_ =	task.clear_ibuf [dreg:s8], $0x7FFFF;
	_ =	strace $0x90000046  }
0xb5: {  	s29 =	simm.s32 $0x9;
	_ =	strace $0x80000048  }
0xb6: {  	_ =	swait.ge [sflag:s29], $0x1  }
0xb7: {  	[sflag:s29] =	ssyncadd.s32 $0xFFFFFFFF  }
0xb8: {  	_ =	strace $0x90000048  }
0xb9: {  	_ =	sfence  }
0xba: {  	s30 =	sld [smem:$0x0];
	_ =	sdelay $0x2  }
0xbb: {  	s31 =	sshll.u32 s1, $0xD;
	s1 =	sshrl.u32 s1, $0x2  }
0xbc: {  	s3 =	sand.u32 $0x4000, s31;
	s1 =	sadd.s32 s1, s30  }
0xbd: {  	s0 =	sor.u32 s3, s0;
	s1 =	sshll.u32 s1, $0x11  }
0xbe: {  	s0 =	sor.u32 s1, s0  }
0xbf: {  	s0 =	sadd.s32 $0x8F2B, s0  }
0xc0: {  	[sflag:s0] =	ssyncadd.remote.s32 $0x1  }
0xc1: {  	_ =	sfence.sel $0xFFFF  }
0xc2: {  	[dreg:$0x0] =	wrdreg $0xFFFFFFFF;
	(pc) =	sbr.abs _section_cstart, $3  }
0xc3: {  	[dreg:$0x1] =	wrdreg $0xFFFFFFFF  }
0xc4: {  	_ =	task.clear_ibuf [dreg:s8], $0x2FFFF;
	_ =	strace $0x9FFFFFFF  }
0xc5: {  	(tm) =	ssettm $0x7FFFFFFF  }
tec
execute0_lowered:
.L_overlay_start_1:
0x0: {  	(tag) =	ssettag $0x1  }
0x1: {  	s1 =	rddreg [dreg:$0x0]  }
0x2: {  	s2 =	rddreg [dreg:$0x1]  }
0x3: {  	s0 =	rddreg [dreg:$0x2]  }
0x4: {  	s4 =	rddreg [dreg:$0x3]  }
0x5: {  	s5 =	simm.s32 $0x0;
	s3 =	srdreg.scid;
	s12 =	stileid.u32  }
0x6: {  	s28 =	simm.s32 $0x5;
	s29 =	simm.s32 $0x180;
	s30 =	simm.s32 $0x80  }
0x7: {  	s31 =	simm.s32 $0x200;
	[smem:$0x7FF] =	sst s5;
	s6 =	smul.u32 $0x4F000, s12  }
0x8: {  	s3 =	sand.u32 $0x1, s3;
	s18 =	smul.u32 $0x2780, s12;
	_ =	strace $0x80000047  }
0x9: {  	s7 =	smul.u32 $0x27800, s3;
	s8 =	sshll.u32 s3, $0x4;
	s9 =	ssub.s32 $0x2, s3  }
0xa: {  	s3 =	smul.u32 $0x27100, s3;
	s8 =	sor.u32 s12, s8;
	s6 =	sshrl.u32 s6, $0x2  }
0xb: {  	s10 =	sshrl.u32 s9, $0x1;
	s6 =	sadd.s32 s6, s4;
	s8 =	smul.u32 $0x2710, s8  }
0xc: {  	s0 =	sadd.s32 s7, s0;
	s22 =	ssub.s32 s9, s10;
	s23 =	sadd.s32 $0x4000, s6  }
0xd: {  	s10 =	smul.u32 $0x2710, s12;
	s24 =	sadd.s32 $0x8000, s6;
	[dreg:$0x6] =	wrdreg s23  }
0xe: {  	s12 =	simm.s32 $0x2;
	s25 =	sadd.s32 $0xC000, s6;
	[dreg:$0x7] =	wrdreg s24  }
0xf: {  	s26 =	sadd.s32 $0x10000, s6;
	s0 =	sadd.s32 $0x1400, s0;
	[dreg:$0x8] =	wrdreg s25  }
0x10: {  	s7 =	smax.u32 s22, $0x1;
	s8 =	sshrl.u32 s8, $0x3;
	[dreg:$0x9] =	wrdreg s26  }
0x11: {  	s3 =	sadd.s32 s10, s3;
	[dreg:$0x11] =	wrdreg s7;
	s11 =	sadd.s32 s2, s8  }
0x12: {  	s10 =	simm.s32 $0x3;
	s19 =	sadd.s32 $0x4E480, s3;
	s8 =	sadd.s32 $0x9C40, s11  }
0x13: {  	s21 =	sadd.s32 $0x280, s3;
	s9 =	sadd.s32 $0x10, s11;
	[dreg:$0xa] =	wrdreg s8  }
0x14: {  	s22 =	sadd.s32 $0x4E400, s3;
	s13 =	sadd.s32 $0x9C50, s11;
	[dreg:$0xb] =	wrdreg s9  }
0x15: {  	s24 =	sadd.s32 $0x200, s3;
	s14 =	sadd.s32 $0x20, s11;
	[dreg:$0xc] =	wrdreg s13  }
0x16: {  	s25 =	sadd.s32 $0x4E380, s3;
	s15 =	sadd.s32 $0x9C60, s11;
	[dreg:$0xd] =	wrdreg s14  }
0x17: {  	s16 =	sadd.s32 $0x4E0, s11;
	s17 =	sadd.s32 $0xA120, s11;
	[dreg:$0xe] =	wrdreg s15  }
0x18: {  	s20 =	sshrl.u32 s19, $0x3;
	s23 =	sshrl.u32 s22, $0x3;
	[dreg:$0xf] =	wrdreg s16  }
0x19: {  	s26 =	sshrl.u32 s24, $0x3;
	[dreg:$0x10] =	wrdreg s17;
	s7 =	sadd.s32 s20, s2  }
0x1a: {  	s9 =	sshrl.u32 s21, $0x3;
	s21 =	sadd.s32 s18, s0;
	s22 =	sadd.s32 s23, s2  }
0x1b: {  	s0 =	sshrl.u32 s25, $0x3;
	s23 =	sadd.s32 s26, s2;
	s25 =	sadd.s32 $0x180, s3  }
0x1c: {  	s26 =	simm.s32 $0x300;
	s3 =	simm.s32 $0x280;
	s8 =	simm.s32 $0x4300  }
0x1d: {  	s13 =	simm.s32 $0x4;
	s14 =	simm.s32 $0x10;
	s15 =	simm.s32 $0x0  }
0x1e: {  	[dreg:$0x5] =	wrdreg s7;
	s20 =	sadd.s32 s9, s2;
	s24 =	sadd.s32 s0, s2  }
0x1f: {  	v0 =	vimm.f32 $0.0e+00;
	s0 =	simm.s32 $0x100;
	s7 =	simm.s32 $0x1;
	s9 =	simm.s32 $0x8300  }
.LBB2_1:
0x20: {  	s16 =	simm.s32 $0x0;
	s17 =	simm.s32 $0x200  }
.LBB2_2:
0x21: {  	p0 =	sne.s32 s17, $0xFE00;
	[tilespmem:s16+$0x370] =	vst v0  }
0x22: {  	[tilespmem:s16+$0x300] =	vst v0  }
0x23: {  	[tilespmem:s16+$0x310] =	vst v0  }
.Ltmp0:
0x24: {  	[tilespmem:s16+$0x320] =	vst v0;
	(pc) =	sbr.rel @p0 .LBB2_2-.Ltmp0, $4  }
0x25: {  	[tilespmem:s16+$0x330] =	vst v0  }
0x26: {  	[tilespmem:s16+$0x340] =	vst v0  }
0x27: {  	[tilespmem:s16+$0x350] =	vst v0  }
0x28: {  	[tilespmem:s16+$0x360] =	vst v0;
	s16 =	sshra.s32 s17, $0x2;
	s17 =	sadd.s32 $0x200, s17  }
0x29: {  	[tilespmem:s16+$0x370] =	vst v0  }
0x2a: {  	[tilespmem:s16+$0x300] =	vst v0  }
0x2b: {  	[tilespmem:s16+$0x310] =	vst v0  }
0x2c: {  	[tilespmem:s16+$0x320] =	vst v0  }
0x2d: {  	[tilespmem:s16+$0x330] =	vst v0  }
0x2e: {  	[tilespmem:s16+$0x340] =	vst v0  }
0x2f: {  	[tilespmem:s16+$0x350] =	vst v0  }
0x30: {  	[tilespmem:s16+$0x360] =	vst v0  }
0x31: {  	[spmem:s6] =	stream.linear.scatter [tilespmem:s26], [sflag:$0x5], $0x4000, $0x38;
	[tilespmem:$0x1FF00] =	vst v63  }
0x32: {  	_ =	swait.ge [sflag:s28], $0x4000  }
0x33: {  	[sflag:s28] =	ssyncset.done $0x0  }
0x34: {  	s17 =	rddreg [dreg:$0x6];
	[sflag:s28] =	ssyncadd.s32 $0xFFFFC000  }
0x35: {  	[spmem:s17] =	stream.linear.scatter [tilespmem:s26], [sflag:$0x5], $0x4000, $0x38;
	[tilespmem:$0x1FF00] =	vst v63  }
0x36: {  	_ =	swait.ge [sflag:s28], $0x4000  }
0x37: {  	[sflag:s28] =	ssyncset.done $0x0  }
0x38: {  	s18 =	rddreg [dreg:$0x7];
	[sflag:s28] =	ssyncadd.s32 $0xFFFFC000  }
0x39: {  	[spmem:s18] =	stream.linear.scatter [tilespmem:s26], [sflag:$0x5], $0x4000, $0x38;
	[tilespmem:$0x1FF00] =	vst v63  }
0x3a: {  	_ =	swait.ge [sflag:s28], $0x4000  }
0x3b: {  	[sflag:s28] =	ssyncset.done $0x0  }
0x3c: {  	s19 =	rddreg [dreg:$0x8];
	[sflag:s28] =	ssyncadd.s32 $0xFFFFC000  }
0x3d: {  	[spmem:s19] =	stream.linear.scatter [tilespmem:s26], [sflag:$0x5], $0x4000, $0x38;
	[tilespmem:$0x1FF00] =	vst v63  }
0x3e: {  	_ =	swait.ge [sflag:s28], $0x4000  }
0x3f: {  	[sflag:s28] =	ssyncset.done $0x0  }
0x40: {  	s17 =	rddreg [dreg:$0x9];
	[sflag:s28] =	ssyncadd.s32 $0xFFFFC000  }
0x41: {  	[spmem:s17] =	stream.linear.scatter [tilespmem:s26], [sflag:$0x5], $0x3C00, $0x38;
	[tilespmem:$0x1FF00] =	vst v63  }
0x42: {  	_ =	swait.ge [sflag:s28], $0x3C00  }
0x43: {  	[sflag:s28] =	ssyncset.done $0x0  }
0x44: {  	[sflag:s28] =	ssyncadd.s32 $0xFFFFC400  }
0x45: {  	s16 =	simm.s32 $0x0;
	[bflag:$0x0] =	sbarrier.arrive $0xFFFF  }
0x46: {  	[tilespmem:s16], [sflag:$0x1] =	stream.linear.gather [hbm4b:s11+s16], $0x80, $0x38;
	[tilespmem:$0x1FF00] =	vst v63  }
0x47: {  	s17 =	rddreg [dreg:$0xa]  }
0x48: {  	[tilespmem:s29], [sflag:$0x2] =	stream.linear.gather [hbm4b:s17+s16], $0x80, $0x38;
	[tilespmem:$0x1FF00] =	vst v63  }
0x49: {  	s18 =	rddreg [dreg:$0xb]  }
0x4a: {  	[tilespmem:s30], [sflag:$0x1] =	stream.linear.gather [hbm4b:s18+s16], $0x80, $0x38;
	[tilespmem:$0x1FF00] =	vst v63  }
0x4b: {  	s19 =	rddreg [dreg:$0xc]  }
0x4c: {  	[tilespmem:s31], [sflag:$0x2] =	stream.linear.gather [hbm4b:s19+s16], $0x80, $0x38;
	[tilespmem:$0x1FF00] =	vst v63  }
0x4d: {  	s18 =	rddreg [dreg:$0xd]  }
0x4e: {  	[tilespmem:s0], [sflag:$0x1] =	stream.linear.gather [hbm4b:s18+s16], $0x80, $0x38;
	[tilespmem:$0x1FF00] =	vst v63  }
0x4f: {  	s19 =	rddreg [dreg:$0xe]  }
0x50: {  	[tilespmem:s3], [sflag:$0x2] =	stream.linear.gather [hbm4b:s19+s16], $0x80, $0x38;
	[tilespmem:$0x1FF00] =	vst v63  }
0x51: {  	_ =	swait.ge [sflag:s7], $0x80  }
0x52: {  	[sflag:s7] =	ssyncset.done $0x0  }
0x53: {  	[sflag:s7] =	ssyncadd.s32 $0xFFFFFF80  }
0x54: {  	[tilespmem:s26], [sflag:$0x3] =	stream.indirect.gather [hbm4b:s1+s30], $0x80, s16, s30, $0xb8;
	[tilespmem:$0x1FF00] =	vst v63  }
0x55: {  	_ =	swait.ge [sflag:s7], $0x80  }
0x56: {  	[sflag:s7] =	ssyncset.done $0x0  }
0x57: {  	[sflag:s7] =	ssyncadd.s32 $0xFFFFFF80  }
0x58: {  	[tilespmem:s8], [sflag:$0x3] =	stream.indirect.gather [hbm4b:s1+s30], $0x80, s30, s30, $0xb8;
	[tilespmem:$0x1FF00] =	vst v63  }
0x59: {  	_ =	swait.ge [sflag:s7], $0x80  }
0x5a: {  	[sflag:s7] =	ssyncset.done $0x0  }
0x5b: {  	[sflag:s7] =	ssyncadd.s32 $0xFFFFFF80  }
0x5c: {  	[tilespmem:s9], [sflag:$0x3] =	stream.indirect.gather [hbm4b:s1+s30], $0x80, s0, s30, $0xb8;
	[tilespmem:$0x1FF00] =	vst v63  }
0x5d: {  	_ =	swait.ge [sflag:s10], $0x4000  }
0x5e: {  	[sflag:s10] =	ssyncset.done $0x0  }
0x5f: {  	[sflag:s10] =	ssyncadd.s32 $0xFFFFC000  }
0x60: {  	_ =	swait.ge [sflag:s12], $0x80  }
0x61: {  	[sflag:s12] =	ssyncset.done $0x0  }
0x62: {  	s17 =	sshrl.u32 s25, $0x3;
	[sflag:s12] =	ssyncadd.s32 $0xFFFFFF80  }
0x63: {  	[spmem:s4] =	stream.indirect.scatter.add.f32 [tilespmem:s26], [sflag:$0x4], $0x80, s29, s30, $0xb8;
	[tilespmem:$0x1FF00] =	vst v63  }
0x64: {  	s16 =	sadd.s32 s2, s17  }
0x65: {  	[tilespmem:s5], [sflag:$0x1] =	stream.linear.gather [hbm4b:s16+s5], $0x80, $0x38;
	[tilespmem:$0x1FF00] =	vst v63  }
0x66: {  	_ =	swait.ge [sflag:s10], $0x4000  }
0x67: {  	[sflag:s10] =	ssyncset.done $0x0  }
0x68: {  	[sflag:s10] =	ssyncadd.s32 $0xFFFFC000  }
0x69: {  	_ =	swait.ge [sflag:s12], $0x80  }
0x6a: {  	[sflag:s12] =	ssyncset.done $0x0  }
0x6b: {  	[sflag:s12] =	ssyncadd.s32 $0xFFFFFF80  }
0x6c: {  	[spmem:s4] =	stream.indirect.scatter.add.f32 [tilespmem:s8], [sflag:$0x4], $0x80, s31, s30, $0xb8;
	[tilespmem:$0x1FF00] =	vst v63  }
0x6d: {  	s18 =	sadd.s32 $0x0, s23  }
0x6e: {  	[tilespmem:s30], [sflag:$0x1] =	stream.linear.gather [hbm4b:s18+s5], $0x80, $0x38;
	[tilespmem:$0x1FF00] =	vst v63  }
0x6f: {  	_ =	swait.ge [sflag:s10], $0x4000  }
0x70: {  	[sflag:s10] =	ssyncset.done $0x0  }
0x71: {  	[sflag:s10] =	ssyncadd.s32 $0xFFFFC000  }
0x72: {  	_ =	swait.ge [sflag:s12], $0x80  }
0x73: {  	[sflag:s12] =	ssyncset.done $0x0  }
0x74: {  	[sflag:s12] =	ssyncadd.s32 $0xFFFFFF80  }
0x75: {  	[spmem:s4] =	stream.indirect.scatter.add.f32 [tilespmem:s9], [sflag:$0x4], $0x80, s3, s30, $0xb8;
	[tilespmem:$0x1FF00] =	vst v63  }
0x76: {  	s19 =	sadd.s32 $0x0, s20  }
0x77: {  	[tilespmem:s0], [sflag:$0x1] =	stream.linear.gather [hbm4b:s19+s5], $0x80, $0x38;
	[tilespmem:$0x1FF00] =	vst v63  }
0x78: {  	_ =	swait.ge [sflag:s13], $0x4000  }
0x79: {  	[sflag:s13] =	ssyncset.done $0x0  }
0x7a: {  	s17 =	sadd.s32 $0x0, s24;
	[sflag:s13] =	ssyncadd.s32 $0xFFFFC000  }
0x7b: {  	[tilespmem:s29], [sflag:$0x2] =	stream.linear.gather [hbm4b:s17+s5], $0x80, $0x38;
	[tilespmem:$0x1FF00] =	vst v63  }
0x7c: {  	_ =	swait.ge [sflag:s7], $0x80  }
0x7d: {  	[sflag:s7] =	ssyncset.done $0x0  }
0x7e: {  	[sflag:s7] =	ssyncadd.s32 $0xFFFFFF80  }
0x7f: {  	[tilespmem:s26], [sflag:$0x3] =	stream.indirect.gather [hbm4b:s1+s30], $0x80, s5, s30, $0xb8;
	[tilespmem:$0x1FF00] =	vst v63  }
0x80: {  	_ =	swait.ge [sflag:s13], $0x4000  }
0x81: {  	[sflag:s13] =	ssyncset.done $0x0  }
0x82: {  	s18 =	sadd.s32 $0x0, s22;
	[sflag:s13] =	ssyncadd.s32 $0xFFFFC000  }
0x83: {  	[tilespmem:s31], [sflag:$0x2] =	stream.linear.gather [hbm4b:s18+s5], $0x80, $0x38;
	[tilespmem:$0x1FF00] =	vst v63  }
0x84: {  	_ =	swait.ge [sflag:s7], $0x80  }
0x85: {  	[sflag:s7] =	ssyncset.done $0x0  }
0x86: {  	[sflag:s7] =	ssyncadd.s32 $0xFFFFFF80  }
0x87: {  	[tilespmem:s8], [sflag:$0x3] =	stream.indirect.gather [hbm4b:s1+s30], $0x80, s30, s30, $0xb8;
	[tilespmem:$0x1FF00] =	vst v63  }
0x88: {  	_ =	swait.ge [sflag:s13], $0x4000  }
0x89: {  	s19 =	rddreg [dreg:$0x5];
	[sflag:s13] =	ssyncset.done $0x0  }
0x8a: {  	[sflag:s13] =	ssyncadd.s32 $0xFFFFC000;
	s16 =	sadd.s32 $0x0, s19  }
0x8b: {  	[tilespmem:s3], [sflag:$0x2] =	stream.linear.gather [hbm4b:s16+s5], $0x80, $0x38;
	[tilespmem:$0x1FF00] =	vst v63  }
0x8c: {  	_ =	swait.ge [sflag:s7], $0x80  }
0x8d: {  	[sflag:s7] =	ssyncset.done $0x0  }
0x8e: {  	s17 =	sadd.s32 $0x180, s25;
	s16 =	simm.s32 $0x30;
	[sflag:s7] =	ssyncadd.s32 $0xFFFFFF80  }
.LBB2_4:
0x8f: {  	[tilespmem:s9], [sflag:$0x3] =	stream.indirect.gather [hbm4b:s1+s30], $0x80, s0, s30, $0xb8;
	[tilespmem:$0x1FF00] =	vst v63  }
0x90: {  	_ =	swait.ge [sflag:s10], $0x4000  }
0x91: {  	[sflag:s10] =	ssyncset.done $0x0  }
0x92: {  	[sflag:s10] =	ssyncadd.s32 $0xFFFFC000  }
0x93: {  	_ =	swait.ge [sflag:s12], $0x80  }
0x94: {  	[sflag:s12] =	ssyncset.done $0x0  }
0x95: {  	s19 =	sshrl.u32 s17, $0x3;
	[sflag:s12] =	ssyncadd.s32 $0xFFFFFF80  }
0x96: {  	[spmem:s4] =	stream.indirect.scatter.add.f32 [tilespmem:s26], [sflag:$0x4], $0x80, s29, s30, $0xb8;
	[tilespmem:$0x1FF00] =	vst v63  }
0x97: {  	s19 =	sadd.s32 s2, s19  }
0x98: {  	[tilespmem:s5], [sflag:$0x1] =	stream.linear.gather [hbm4b:s19+s5], $0x80, $0x38;
	[tilespmem:$0x1FF00] =	vst v63  }
0x99: {  	_ =	swait.ge [sflag:s10], $0x4000  }
0x9a: {  	[sflag:s10] =	ssyncset.done $0x0  }
0x9b: {  	[sflag:s10] =	ssyncadd.s32 $0xFFFFC000  }
0x9c: {  	_ =	swait.ge [sflag:s12], $0x80  }
0x9d: {  	[sflag:s12] =	ssyncset.done $0x0  }
0x9e: {  	s18 =	smov.u32 s16;
	[sflag:s12] =	ssyncadd.s32 $0xFFFFFF80  }
0x9f: {  	[spmem:s4] =	stream.indirect.scatter.add.f32 [tilespmem:s8], [sflag:$0x4], $0x80, s31, s30, $0xb8;
	[tilespmem:$0x1FF00] =	vst v63  }
0xa0: {  	s19 =	sadd.s32 s18, s23  }
0xa1: {  	[tilespmem:s30], [sflag:$0x1] =	stream.linear.gather [hbm4b:s19+s5], $0x80, $0x38;
	[tilespmem:$0x1FF00] =	vst v63  }
0xa2: {  	_ =	swait.ge [sflag:s10], $0x4000  }
0xa3: {  	[sflag:s10] =	ssyncset.done $0x0  }
0xa4: {  	[sflag:s10] =	ssyncadd.s32 $0xFFFFC000  }
0xa5: {  	_ =	swait.ge [sflag:s12], $0x80  }
0xa6: {  	[sflag:s12] =	ssyncset.done $0x0  }
0xa7: {  	[sflag:s12] =	ssyncadd.s32 $0xFFFFFF80  }
0xa8: {  	[spmem:s4] =	stream.indirect.scatter.add.f32 [tilespmem:s9], [sflag:$0x4], $0x80, s3, s30, $0xb8;
	[tilespmem:$0x1FF00] =	vst v63  }
0xa9: {  	s19 =	sadd.s32 s18, s20  }
0xaa: {  	[tilespmem:s0], [sflag:$0x1] =	stream.linear.gather [hbm4b:s19+s5], $0x80, $0x38;
	[tilespmem:$0x1FF00] =	vst v63  }
0xab: {  	_ =	swait.ge [sflag:s13], $0x4000  }
0xac: {  	[sflag:s13] =	ssyncset.done $0x0  }
0xad: {  	s19 =	sadd.s32 s18, s24;
	[sflag:s13] =	ssyncadd.s32 $0xFFFFC000  }
0xae: {  	[tilespmem:s29], [sflag:$0x2] =	stream.linear.gather [hbm4b:s19+s5], $0x80, $0x38;
	[tilespmem:$0x1FF00] =	vst v63  }
0xaf: {  	_ =	swait.ge [sflag:s7], $0x80  }
0xb0: {  	[sflag:s7] =	ssyncset.done $0x0  }
0xb1: {  	[sflag:s7] =	ssyncadd.s32 $0xFFFFFF80  }
0xb2: {  	[tilespmem:s26], [sflag:$0x3] =	stream.indirect.gather [hbm4b:s1+s30], $0x80, s5, s30, $0xb8;
	[tilespmem:$0x1FF00] =	vst v63  }
0xb3: {  	_ =	swait.ge [sflag:s13], $0x4000  }
0xb4: {  	[sflag:s13] =	ssyncset.done $0x0  }
0xb5: {  	s19 =	sadd.s32 s18, s22;
	[sflag:s13] =	ssyncadd.s32 $0xFFFFC000  }
0xb6: {  	[tilespmem:s31], [sflag:$0x2] =	stream.linear.gather [hbm4b:s19+s5], $0x80, $0x38;
	[tilespmem:$0x1FF00] =	vst v63  }
0xb7: {  	_ =	swait.ge [sflag:s7], $0x80  }
0xb8: {  	[sflag:s7] =	ssyncset.done $0x0  }
0xb9: {  	[sflag:s7] =	ssyncadd.s32 $0xFFFFFF80  }
0xba: {  	[tilespmem:s8], [sflag:$0x3] =	stream.indirect.gather [hbm4b:s1+s30], $0x80, s30, s30, $0xb8;
	[tilespmem:$0x1FF00] =	vst v63  }
0xbb: {  	_ =	swait.ge [sflag:s13], $0x4000  }
0xbc: {  	p0 =	sne.s32 s16, $0x480;
	s19 =	rddreg [dreg:$0x5];
	[sflag:s13] =	ssyncset.done $0x0  }
.Ltmp1:
0xbd: {  	[sflag:s13] =	ssyncadd.s32 $0xFFFFC000;
	s18 =	sadd.s32 s18, s19;
	(pc) =	sbr.rel @p0 .LBB2_4-.Ltmp1, $4  }
0xbe: {  	[tilespmem:s3], [sflag:$0x2] =	stream.linear.gather [hbm4b:s18+s5], $0x80, $0x38;
	[tilespmem:$0x1FF00] =	vst v63  }
0xbf: {  	_ =	swait.ge [sflag:s7], $0x80  }
0xc0: {  	[sflag:s7] =	ssyncset.done $0x0  }
0xc1: {  	s16 =	sadd.s32 $0x30, s16;
	s17 =	sadd.s32 $0x180, s17;
	[sflag:s7] =	ssyncadd.s32 $0xFFFFFF80  }
0xc2: {  	[tilespmem:s9], [sflag:$0x3] =	stream.indirect.gather [hbm4b:s1+s30], $0x80, s0, s30, $0xb8;
	[tilespmem:$0x1FF00] =	vst v63  }
0xc3: {  	_ =	swait.ge [sflag:s10], $0x4000  }
0xc4: {  	[sflag:s10] =	ssyncset.done $0x0  }
0xc5: {  	[sflag:s10] =	ssyncadd.s32 $0xFFFFC000  }
0xc6: {  	_ =	swait.ge [sflag:s12], $0x80  }
0xc7: {  	[sflag:s12] =	ssyncset.done $0x0  }
0xc8: {  	[sflag:s12] =	ssyncadd.s32 $0xFFFFFF80  }
0xc9: {  	[spmem:s4] =	stream.indirect.scatter.add.f32 [tilespmem:s26], [sflag:$0x4], $0x80, s29, s30, $0xb8;
	[tilespmem:$0x1FF00] =	vst v63  }
0xca: {  	_ =	swait.ge [sflag:s10], $0x4000  }
0xcb: {  	[sflag:s10] =	ssyncset.done $0x0  }
0xcc: {  	[sflag:s10] =	ssyncadd.s32 $0xFFFFC000  }
0xcd: {  	_ =	swait.ge [sflag:s12], $0x80  }
0xce: {  	[sflag:s12] =	ssyncset.done $0x0  }
0xcf: {  	[sflag:s12] =	ssyncadd.s32 $0xFFFFFF80  }
0xd0: {  	[spmem:s4] =	stream.indirect.scatter.add.f32 [tilespmem:s8], [sflag:$0x4], $0x80, s31, s30, $0xb8;
	[tilespmem:$0x1FF00] =	vst v63  }
0xd1: {  	_ =	swait.ge [sflag:s10], $0x4000  }
0xd2: {  	[sflag:s10] =	ssyncset.done $0x0  }
0xd3: {  	[sflag:s10] =	ssyncadd.s32 $0xFFFFC000  }
0xd4: {  	_ =	swait.ge [sflag:s12], $0x80  }
0xd5: {  	[sflag:s12] =	ssyncset.done $0x0  }
0xd6: {  	[sflag:s12] =	ssyncadd.s32 $0xFFFFFF80  }
0xd7: {  	[spmem:s4] =	stream.indirect.scatter.add.f32 [tilespmem:s9], [sflag:$0x4], $0x80, s3, s30, $0xb8;
	[tilespmem:$0x1FF00] =	vst v63  }
0xd8: {  	_ =	swait.ge [sflag:s13], $0x4000  }
0xd9: {  	[sflag:s13] =	ssyncset.done $0x0  }
0xda: {  	[sflag:s13] =	ssyncadd.s32 $0xFFFFC000  }
0xdb: {  	_ =	swait.ge [sflag:s13], $0x4000  }
0xdc: {  	[sflag:s13] =	ssyncset.done $0x0  }
0xdd: {  	[sflag:s13] =	ssyncadd.s32 $0xFFFFC000  }
0xde: {  	_ =	swait.ge [sflag:s13], $0x4000  }
0xdf: {  	[sflag:s13] =	ssyncset.done $0x0  }
0xe0: {  	s16 =	rddreg [dreg:$0xf];
	[sflag:s13] =	ssyncadd.s32 $0xFFFFC000  }
0xe1: {  	[tilespmem:s5], [sflag:$0x1] =	stream.linear.gather [hbm4b:s16+s5], $0x10, $0x38;
	[tilespmem:$0x1FF00] =	vst v63  }
0xe2: {  	s17 =	rddreg [dreg:$0x10]  }
0xe3: {  	[tilespmem:s29], [sflag:$0x1] =	stream.linear.gather [hbm4b:s17+s5], $0x10, $0x38;
	[tilespmem:$0x1FF00] =	vst v63  }
0xe4: {  	_ =	swait.ge [sflag:s7], $0x10  }
0xe5: {  	[sflag:s7] =	ssyncset.done $0x0  }
0xe6: {  	[sflag:s7] =	ssyncadd.s32 $0xFFFFFFF0  }
0xe7: {  	_ =	swait.ge [sflag:s7], $0x10  }
0xe8: {  	[sflag:s7] =	ssyncset.done $0x0  }
0xe9: {  	[sflag:s7] =	ssyncadd.s32 $0xFFFFFFF0  }
0xea: {  	[tilespmem:s26], [sflag:$0x3] =	stream.indirect.gather [hbm4b:s1+s14], $0x80, s5, s14, $0xb8;
	[tilespmem:$0x1FF00] =	vst v63  }
0xeb: {  	_ =	swait.ge [sflag:s10], $0x800  }
0xec: {  	[sflag:s10] =	ssyncset.done $0x0  }
0xed: {  	[sflag:s10] =	ssyncadd.s32 $0xFFFFF800  }
0xee: {  	[spmem:s4] =	stream.indirect.scatter.add.f32 [tilespmem:s26], [sflag:$0x5], $0x80, s29, s14, $0xb8;
	[tilespmem:$0x1FF00] =	vst v63  }
0xef: {  	_ =	swait.ge [sflag:s28], $0x800  }
0xf0: {  	s18 =	stileid.u32;
	[sflag:s28] =	ssyncset.done $0x0  }
0xf1: {  	s16 =	sshll.u32 s18, $0x6;
	[sflag:s28] =	ssyncadd.s32 $0xFFFFF800  }
0xf2: {  	s16 =	sor.u32 $0x1C05, s16;
	s17 =	sshrl.u32 s6, $0x3;
	[bflag:$0x0] =	sbarrier.arrive $0xFFFF  }
0xf3: {  	[hbm:s21], [sflag:s16] =	dma.local [spmem:s17], $0x2780  }
0xf4: {  	_ =	swait.ge [sflag:s28], $0x2780  }
0xf5: {  	s15 =	sadd.s32 $0x1, s15;
	s19 =	rddreg [dreg:$0x11]  }
0xf6: {  	p0 =	sne.s32 s15, s19  }
.Ltmp2:
0xf7: {  	_ = 	snop;
	(pc) =	sbr.rel @p0 .LBB2_1-.Ltmp2, $3  }
0xf8: {  	_ =	sdelay $0x1  }
0xf9: {  	[sflag:s28] =	ssyncset.done $0x0  }
0xfa: {  	[sflag:s28] =	ssyncadd.s32 $0xFFFFD880  }
0xfb: {  	_ =	sfence.sel $0x180000  }
0xfc: {  	[bflag:$0x0] =	sbarrier.arrive $0xFFFF  }
0xfd: {  	_ =	strace $0x90000047  }
0xfe: {  	s0 =	stileid.u32;
	[bflag:$0x2] =	sbarrier.arrive $0xFFFF  }
0xff: {  	p0 =	sne.s32 s0, $0x0;
	s0 =	rddreg [dreg:$0x4]  }
0x100: {  	s0 =	sadd.s32 @!p0 $0x100000, s0  }
0x101: {  	[sflag:s0] =	ssyncadd.tile.s32 @!p0 $0x1;
	_ =	shalt  }
.Lfunc_end2:
_tile_overlayer_lowered:
.L_overlay_start_2:
0x102: {  	(tag) =	ssettag $0x2  }
0x103: {  	s0 =	rddreg [dreg:$0x0];
	s2 =	stileid.u32  }
0x104: {  	s1 =	rddreg [dreg:$0x1];
	p0 =	sne.s32 s2, $0x0  }
0x105: {  	s3 =	rddreg [dreg:$0x2];
	[bflag:$0x3] =	sbarrier.arrive $0xFFFF;
	s2 =	simm.s32 @!p0 $0x1C05  }
0x106: {  	[timem:s3], [sflag:s2] =	dma.local @!p0 [hbm:s0], s1  }
0x107: {  	s0 =	simm.s32 @!p0 $0x5  }
0x108: {  	_ =	swait.ge @!p0 [sflag:s0], s1  }
0x109: {  	s1 =	ssub.s32 @!p0 $0x0, s1;
	[sflag:s0] =	ssyncset.done @!p0 $0x0  }
0x10a: {  	[sflag:s0] =	ssyncadd.s32 @!p0 s1  }
0x10b: {  	[bflag:$0x3] =	sbarrier.arrive $0xFFFF  }
0x10c: {  	_ =	shalt  }

</sc_bundles>
